<compile_context>
chip_gen: v7x
topology: tpu7x:2x2x1
jax: 0.10.2.dev20260603
libtpu: 0.0.44.dev20260713+nightly
codegen_flags: <defaults>
</compile_context>

<pallas_src>
import functools

import jax
import jax.numpy as jnp
from jax import lax
from jax.experimental import pallas as pl
from jax.experimental.pallas import tpu as pltpu
from jax.experimental.pallas import tpu_sc as plsc

_C = 128
_NB = 4
_NP = 2
_LA = 2


@functools.lru_cache(maxsize=None)
def _make_sc_gather(B, V, D, dtype_name):
    dtype = jnp.dtype(dtype_name)
    info = plsc.get_sparse_core_info()
    NC, NS = info.num_cores, info.num_subcores
    NW = NC * NS
    assert B % NW == 0
    b_per_w = B // NW
    C, NB, NP = _C, _NB, _NP
    assert b_per_w % C == 0
    n_chunks = b_per_w // C
    assert n_chunks % NB == 0 and n_chunks >= 2 * NB
    mesh = plsc.VectorSubcoreMesh(core_axis_name="c", subcore_axis_name="s")

    @functools.partial(
        pl.kernel,
        mesh=mesh,
        out_type=jax.ShapeDtypeStruct((B, D), dtype),
        scratch_types=[
            pltpu.VMEM((b_per_w,), jnp.int32),
            pltpu.VMEM((NB, C, D), dtype),
            pltpu.VMEM_SHARED((NS, NP, C, D), dtype),
            pltpu.SemaphoreType.DMA((NB,)),
            pltpu.SemaphoreType.DMA((NP,)),
            pltpu.SemaphoreType.DMA((NP,)),
        ],
    )
    def k(table_hbm, idx_hbm, out_hbm, idx_v, rows, shared, gsem, csem, ssem):
        cid = lax.axis_index("c")
        sid = lax.axis_index("s")
        wid = sid * NC + cid
        base = wid * b_per_w
        pltpu.sync_copy(idx_hbm.at[pl.ds(base, b_per_w)], idx_v)

        def start_gather(g, b):
            pltpu.async_copy(
                table_hbm.at[idx_v.at[pl.ds(g * C, C)]], rows.at[b], gsem.at[b]
            )

        def wait_gather(b):
            pltpu.make_async_copy(
                table_hbm.at[idx_v.at[pl.ds(0, C)]], rows.at[b], gsem.at[b]
            ).wait()

        def start_cross(b, p):
            pltpu.async_copy(rows.at[b], shared.at[sid, p], csem.at[p])

        def wait_cross(p):
            pltpu.make_async_copy(
                rows.at[0], shared.at[sid, p], csem.at[p]
            ).wait()

        def start_store(g, p):
            pltpu.async_copy(
                shared.at[sid, p], out_hbm.at[pl.ds(base + g * C, C)], ssem.at[p]
            )

        def wait_store(p):
            pltpu.make_async_copy(
                shared.at[sid, p], out_hbm.at[pl.ds(base, C)], ssem.at[p]
            ).wait()

        start_gather(0, 0)
        start_gather(1, 1)
        for i in range(NB):
            b, p = i % NB, i % NP
            wait_gather(b)
            if i >= NP:
                wait_store(p)
            start_cross(b, p)
            if i >= 1:
                wait_cross((p - 1) % NP)
                start_store(i - 1, (p - 1) % NP)
            if i + _LA < n_chunks:
                start_gather(i + _LA, (i + _LA) % NB)

        def body(o, carry):
            i0 = o * NB
            for b in range(NB):
                i = i0 + b
                p = b % NP
                wait_gather(b)
                wait_store(p)
                start_cross(b, p)
                wait_cross((p - 1) % NP)
                start_store(i - 1, (p - 1) % NP)
                start_gather(i + _LA, (b + _LA) % NB)
            return carry

        lax.fori_loop(1, n_chunks // NB - 1, body, 0)

        for i in range(n_chunks - NB, n_chunks):
            b, p = i % NB, i % NP
            wait_gather(b)
            wait_store(p)
            start_cross(b, p)
            wait_cross((p - 1) % NP)
            start_store(i - 1, (p - 1) % NP)
            if i + _LA < n_chunks:
                start_gather(i + _LA, (b + _LA) % NB)
        wait_cross((n_chunks - 1) % NP)
        start_store(n_chunks - 1, (n_chunks - 1) % NP)
        for p in range(NP):
            wait_store(p)

    return k


def kernel(ids, weight_fp):
    V, D = weight_fp.shape
    ids_flat = ids.reshape(-1).astype(jnp.int32)
    B = ids_flat.shape[0]
    out = _make_sc_gather(B, V, D, weight_fp.dtype.name)(weight_fp, ids_flat)
    return out.reshape(*ids.shape, D)

# --- scband reference (transcript-rebuilt; emitter-appended) ---
"""Pipeline reference for scband-nf4-embedding-37391985279695 (READ-ONLY COPY).

The authoritative reference and input builder live on the scoring server;
editing this copy changes nothing except your own understanding.
"""

import jax, jax.numpy as jnp
import numpy as np

VOCAB = 100000
EMBED_DIM = 128
BATCH = 4096
HIST = 200

def setup_inputs(seed: int = 0) -> dict:
    key = jax.random.key(seed)
    k_ids, k_w = jax.random.split(key)
    ids = jax.random.randint(k_ids, (BATCH, HIST), 0, VOCAB, dtype=jnp.int64 if jax.config.jax_enable_x64 else jnp.int32)
    weight_fp = jax.random.normal(k_w, (VOCAB, EMBED_DIM), dtype=jnp.float32) * 0.02
    return {"ids": ids, "weight_fp": weight_fp}

def reference(ids, weight_fp):
    # F.embedding(ids, weight_fp) -> gather rows of the table
    return jnp.take(weight_fp, ids, axis=0)

if __name__ == "__main__":
    import jax
    _d = setup_inputs()
    print(jax.jit(kernel)(*tuple(_d.values())))

</pallas_src>

<mosaic_0001>
#map = affine_map<(d0, d1) -> (0, 0)>
#map1 = affine_map<(d0, d1) -> (0)>
module attributes {stable_mosaic.version = 14 : i64} {
  func.func @k(%arg0: i32, %arg1: i32, %arg2: memref<100000x128xf32, #tpu.memory_space<hbm>>, %arg3: memref<819200xi32, #tpu.memory_space<hbm>>, %arg4: memref<819200x128xf32, #tpu.memory_space<hbm>>, %arg5: memref<25600xi32, #tpu.memory_space<vmem>>, %arg6: memref<4x128x128xf32, #tpu.memory_space<vmem>>, %arg7: memref<16x2x128x128xf32, #tpu.memory_space<vmem_shared>>, %arg8: memref<4x!tpu.dma_semaphore, #tpu.memory_space<semaphore_mem>>, %arg9: memref<2x!tpu.dma_semaphore, #tpu.memory_space<semaphore_mem>>, %arg10: memref<2x!tpu.dma_semaphore, #tpu.memory_space<semaphore_mem>>) attributes {dimension_semantics = [#tpu.dimension_semantics<core_parallel>, #tpu.dimension_semantics<subcore_parallel>], iteration_bounds = array<i64: 2, 16>, scalar_prefetch = 0 : i64, scratch_operands = 6 : i64, tpu.core_type = #tpu.core_type<sc_vector_subcore>, window_params = [{transform_indices = #map}, {transform_indices = #map1}, {transform_indices = #map}]} {
    %mul3A = arith.constant 2 : i32
    %mul3A_0 = arith.muli %arg1, %mul3A : i32
    %add3A = arith.addi %mul3A_0, %arg0 : i32
    %mul3A_1 = arith.constant 25600 : i32
    %mul3A_2 = arith.muli %add3A, %mul3A_1 : i32
    "tpu.region"() ({
      %run_scoped3A = tpu.sem_alloc : memref<!tpu.dma_semaphore, #tpu.memory_space<semaphore_mem>>
      %dma_start3A_726 = tpu.memref_slice %arg3[%mul3A_2] : memref<819200xi32, #tpu.memory_space<hbm>> -> memref<25600xi32, #tpu.memory_space<hbm>>
      %dma_start3A_727 = tpu.memref_slice %arg3[%mul3A_2] : memref<819200xi32, #tpu.memory_space<hbm>> -> memref<25600xi32, #tpu.memory_space<hbm>>
      tpu.enqueue_dma source(%dma_start3A_727 : memref<25600xi32, #tpu.memory_space<hbm>>) target(%arg5 : memref<25600xi32, #tpu.memory_space<vmem>>) target_semaphore(%run_scoped3A : memref<!tpu.dma_semaphore, #tpu.memory_space<semaphore_mem>>)
      %dma_wait3A_728 = tpu.memref_slice %arg3[%mul3A_2] : memref<819200xi32, #tpu.memory_space<hbm>> -> memref<25600xi32, #tpu.memory_space<hbm>>
      %dma_wait3A_729 = tpu.memref_slice %arg3[%mul3A_2] : memref<819200xi32, #tpu.memory_space<hbm>> -> memref<25600xi32, #tpu.memory_space<hbm>>
      tpu.wait_dma2 semaphore(%run_scoped3A : memref<!tpu.dma_semaphore, #tpu.memory_space<semaphore_mem>>) src(%dma_wait3A_729 : memref<25600xi32, #tpu.memory_space<hbm>>) dst(%arg5 : memref<25600xi32, #tpu.memory_space<vmem>>)
      tpu.yield
    }) : () -> ()
    %dma_start3A = arith.constant 0 : i32
    %dma_start3A_3 = arith.constant 0 : i32
    %dma_start3A_4 = arith.constant 0 : i32
    %dma_start3A_5 = arith.constant 0 : i32
    %dma_start3A_6 = tpu.memref_slice %arg6[%dma_start3A, %dma_start3A_4, %dma_start3A_5] : memref<4x128x128xf32, #tpu.memory_space<vmem>> -> memref<1x128x128xf32, #tpu.memory_space<vmem>>
    %dma_start3A_7 = tpu.memref_squeeze %dma_start3A_6 : memref<1x128x128xf32, #tpu.memory_space<vmem>> -> memref<128x128xf32, #tpu.memory_space<vmem>>
    %dma_start3A_8 = arith.constant 0 : i32
    %dma_start3A_9 = tpu.memref_slice %arg5[%dma_start3A_8] : memref<25600xi32, #tpu.memory_space<vmem>> -> memref<128xi32, #tpu.memory_space<vmem>>
    %dma_start3A_10 = arith.constant 0 : i32
    %dma_start3A_11 = arith.constant 0 : i32
    %dma_start3A_12 = tpu.memref_slice %arg2[%dma_start3A_10, %dma_start3A_11] : memref<100000x128xf32, #tpu.memory_space<hbm>> -> memref<100000x128xf32, #tpu.memory_space<hbm>>
    %dma_start3A_13 = tpu.memref_slice %arg8[%dma_start3A_3] : memref<4x!tpu.dma_semaphore, #tpu.memory_space<semaphore_mem>> -> memref<1x!tpu.dma_semaphore, #tpu.memory_space<semaphore_mem>>
    %dma_start3A_14 = tpu.memref_squeeze %dma_start3A_13 : memref<1x!tpu.dma_semaphore, #tpu.memory_space<semaphore_mem>> -> memref<!tpu.dma_semaphore, #tpu.memory_space<semaphore_mem>>
    tpu.enqueue_indirect_dma source(%dma_start3A_12 : memref<100000x128xf32, #tpu.memory_space<hbm>>) target(%dma_start3A_7 : memref<128x128xf32, #tpu.memory_space<vmem>>) offsets(%dma_start3A_9 : memref<128xi32, #tpu.memory_space<vmem>>) semaphore(%dma_start3A_14 : memref<!tpu.dma_semaphore, #tpu.memory_space<semaphore_mem>>)
    %dma_start3A_15 = arith.constant 1 : i32
    %dma_start3A_16 = arith.constant 1 : i32
    %dma_start3A_17 = arith.constant 0 : i32
    %dma_start3A_18 = arith.constant 0 : i32
    %dma_start3A_19 = tpu.memref_slice %arg6[%dma_start3A_15, %dma_start3A_17, %dma_start3A_18] : memref<4x128x128xf32, #tpu.memory_space<vmem>> -> memref<1x128x128xf32, #tpu.memory_space<vmem>>
    %dma_start3A_20 = tpu.memref_squeeze %dma_start3A_19 : memref<1x128x128xf32, #tpu.memory_space<vmem>> -> memref<128x128xf32, #tpu.memory_space<vmem>>
    %dma_start3A_21 = arith.constant 128 : i32
    %dma_start3A_22 = tpu.memref_slice %arg5[%dma_start3A_21] : memref<25600xi32, #tpu.memory_space<vmem>> -> memref<128xi32, #tpu.memory_space<vmem>>
    %dma_start3A_23 = arith.constant 0 : i32
    %dma_start3A_24 = arith.constant 0 : i32
    %dma_start3A_25 = tpu.memref_slice %arg2[%dma_start3A_23, %dma_start3A_24] : memref<100000x128xf32, #tpu.memory_space<hbm>> -> memref<100000x128xf32, #tpu.memory_space<hbm>>
    %dma_start3A_26 = tpu.memref_slice %arg8[%dma_start3A_16] : memref<4x!tpu.dma_semaphore, #tpu.memory_space<semaphore_mem>> -> memref<1x!tpu.dma_semaphore, #tpu.memory_space<semaphore_mem>>
    %dma_start3A_27 = tpu.memref_squeeze %dma_start3A_26 : memref<1x!tpu.dma_semaphore, #tpu.memory_space<semaphore_mem>> -> memref<!tpu.dma_semaphore, #tpu.memory_space<semaphore_mem>>
    tpu.enqueue_indirect_dma source(%dma_start3A_25 : memref<100000x128xf32, #tpu.memory_space<hbm>>) target(%dma_start3A_20 : memref<128x128xf32, #tpu.memory_space<vmem>>) offsets(%dma_start3A_22 : memref<128xi32, #tpu.memory_space<vmem>>) semaphore(%dma_start3A_27 : memref<!tpu.dma_semaphore, #tpu.memory_space<semaphore_mem>>)
    %dma_wait3A = arith.constant 0 : i32
    %dma_wait3A_28 = arith.constant 0 : i32
    %dma_wait3A_29 = arith.constant 0 : i32
    %dma_wait3A_30 = arith.constant 0 : i32
    %dma_wait3A_31 = tpu.memref_slice %arg6[%dma_wait3A, %dma_wait3A_29, %dma_wait3A_30] : memref<4x128x128xf32, #tpu.memory_space<vmem>> -> memref<1x128x128xf32, #tpu.memory_space<vmem>>
    %dma_wait3A_32 = tpu.memref_squeeze %dma_wait3A_31 : memref<1x128x128xf32, #tpu.memory_space<vmem>> -> memref<128x128xf32, #tpu.memory_space<vmem>>
    %dma_wait3A_33 = arith.constant 0 : i32
    %dma_wait3A_34 = tpu.memref_slice %arg5[%dma_wait3A_33] : memref<25600xi32, #tpu.memory_space<vmem>> -> memref<128xi32, #tpu.memory_space<vmem>>
    %dma_wait3A_35 = arith.constant 0 : i32
    %dma_wait3A_36 = arith.constant 0 : i32
    %dma_wait3A_37 = tpu.memref_slice %arg2[%dma_wait3A_35, %dma_wait3A_36] : memref<100000x128xf32, #tpu.memory_space<hbm>> -> memref<100000x128xf32, #tpu.memory_space<hbm>>
    %dma_wait3A_38 = tpu.memref_slice %arg8[%dma_wait3A_28] : memref<4x!tpu.dma_semaphore, #tpu.memory_space<semaphore_mem>> -> memref<1x!tpu.dma_semaphore, #tpu.memory_space<semaphore_mem>>
    %dma_wait3A_39 = tpu.memref_squeeze %dma_wait3A_38 : memref<1x!tpu.dma_semaphore, #tpu.memory_space<semaphore_mem>> -> memref<!tpu.dma_semaphore, #tpu.memory_space<semaphore_mem>>
    tpu.wait_indirect_dma semaphore(%dma_wait3A_39 : memref<!tpu.dma_semaphore, #tpu.memory_space<semaphore_mem>>) src(%dma_wait3A_37 : memref<100000x128xf32, #tpu.memory_space<hbm>>) dst(%dma_wait3A_32 : memref<128x128xf32, #tpu.memory_space<vmem>>)
    %dma_start3A_40 = arith.constant 0 : i32
    %dma_start3A_41 = arith.constant 0 : i32
    %dma_start3A_42 = arith.constant 0 : i32
    %dma_start3A_43 = arith.constant 0 : i32
    %dma_start3A_44 = arith.constant 0 : i32
    %dma_start3A_45 = tpu.memref_slice %arg6[%dma_start3A_40, %dma_start3A_43, %dma_start3A_44] : memref<4x128x128xf32, #tpu.memory_space<vmem>> -> memref<1x128x128xf32, #tpu.memory_space<vmem>>
    %dma_start3A_46 = tpu.memref_squeeze %dma_start3A_45 : memref<1x128x128xf32, #tpu.memory_space<vmem>> -> memref<128x128xf32, #tpu.memory_space<vmem>>
    %dma_start3A_47 = arith.constant 0 : i32
    %dma_start3A_48 = arith.constant 0 : i32
    %dma_start3A_49 = tpu.memref_slice %arg7[%arg1, %dma_start3A_41, %dma_start3A_47, %dma_start3A_48] : memref<16x2x128x128xf32, #tpu.memory_space<vmem_shared>> -> memref<1x1x128x128xf32, #tpu.memory_space<vmem_shared>>
    %dma_start3A_50 = tpu.memref_squeeze %dma_start3A_49 : memref<1x1x128x128xf32, #tpu.memory_space<vmem_shared>> -> memref<128x128xf32, #tpu.memory_space<vmem_shared>>
    %dma_start3A_51 = tpu.memref_slice %arg9[%dma_start3A_42] : memref<2x!tpu.dma_semaphore, #tpu.memory_space<semaphore_mem>> -> memref<1x!tpu.dma_semaphore, #tpu.memory_space<semaphore_mem>>
    %dma_start3A_52 = tpu.memref_squeeze %dma_start3A_51 : memref<1x!tpu.dma_semaphore, #tpu.memory_space<semaphore_mem>> -> memref<!tpu.dma_semaphore, #tpu.memory_space<semaphore_mem>>
    %dma_start3A_53 = arith.constant 0 : i32
    %dma_start3A_54 = arith.constant 0 : i32
    %dma_start3A_55 = tpu.memref_slice %arg7[%arg1, %dma_start3A_41, %dma_start3A_53, %dma_start3A_54] : memref<16x2x128x128xf32, #tpu.memory_space<vmem_shared>> -> memref<1x1x128x128xf32, #tpu.memory_space<vmem_shared>>
    %dma_start3A_56 = tpu.memref_squeeze %dma_start3A_55 : memref<1x1x128x128xf32, #tpu.memory_space<vmem_shared>> -> memref<128x128xf32, #tpu.memory_space<vmem_shared>>
    %dma_start3A_57 = arith.constant 0 : i32
    %dma_start3A_58 = arith.constant 0 : i32
    %dma_start3A_59 = tpu.memref_slice %arg6[%dma_start3A_40, %dma_start3A_57, %dma_start3A_58] : memref<4x128x128xf32, #tpu.memory_space<vmem>> -> memref<1x128x128xf32, #tpu.memory_space<vmem>>
    %dma_start3A_60 = tpu.memref_squeeze %dma_start3A_59 : memref<1x128x128xf32, #tpu.memory_space<vmem>> -> memref<128x128xf32, #tpu.memory_space<vmem>>
    tpu.enqueue_dma source(%dma_start3A_60 : memref<128x128xf32, #tpu.memory_space<vmem>>) target(%dma_start3A_56 : memref<128x128xf32, #tpu.memory_space<vmem_shared>>) target_semaphore(%dma_start3A_52 : memref<!tpu.dma_semaphore, #tpu.memory_space<semaphore_mem>>)
    %dma_start3A_61 = arith.constant 2 : i32
    %dma_start3A_62 = arith.constant 2 : i32
    %dma_start3A_63 = arith.constant 0 : i32
    %dma_start3A_64 = arith.constant 0 : i32
    %dma_start3A_65 = tpu.memref_slice %arg6[%dma_start3A_61, %dma_start3A_63, %dma_start3A_64] : memref<4x128x128xf32, #tpu.memory_space<vmem>> -> memref<1x128x128xf32, #tpu.memory_space<vmem>>
    %dma_start3A_66 = tpu.memref_squeeze %dma_start3A_65 : memref<1x128x128xf32, #tpu.memory_space<vmem>> -> memref<128x128xf32, #tpu.memory_space<vmem>>
    %dma_start3A_67 = arith.constant 256 : i32
    %dma_start3A_68 = tpu.memref_slice %arg5[%dma_start3A_67] : memref<25600xi32, #tpu.memory_space<vmem>> -> memref<128xi32, #tpu.memory_space<vmem>>
    %dma_start3A_69 = arith.constant 0 : i32
    %dma_start3A_70 = arith.constant 0 : i32
    %dma_start3A_71 = tpu.memref_slice %arg2[%dma_start3A_69, %dma_start3A_70] : memref<100000x128xf32, #tpu.memory_space<hbm>> -> memref<100000x128xf32, #tpu.memory_space<hbm>>
    %dma_start3A_72 = tpu.memref_slice %arg8[%dma_start3A_62] : memref<4x!tpu.dma_semaphore, #tpu.memory_space<semaphore_mem>> -> memref<1x!tpu.dma_semaphore, #tpu.memory_space<semaphore_mem>>
    %dma_start3A_73 = tpu.memref_squeeze %dma_start3A_72 : memref<1x!tpu.dma_semaphore, #tpu.memory_space<semaphore_mem>> -> memref<!tpu.dma_semaphore, #tpu.memory_space<semaphore_mem>>
    tpu.enqueue_indirect_dma source(%dma_start3A_71 : memref<100000x128xf32, #tpu.memory_space<hbm>>) target(%dma_start3A_66 : memref<128x128xf32, #tpu.memory_space<vmem>>) offsets(%dma_start3A_68 : memref<128xi32, #tpu.memory_space<vmem>>) semaphore(%dma_start3A_73 : memref<!tpu.dma_semaphore, #tpu.memory_space<semaphore_mem>>)
    %dma_wait3A_74 = arith.constant 1 : i32
    %dma_wait3A_75 = arith.constant 1 : i32
    %dma_wait3A_76 = arith.constant 0 : i32
    %dma_wait3A_77 = arith.constant 0 : i32
    %dma_wait3A_78 = tpu.memref_slice %arg6[%dma_wait3A_74, %dma_wait3A_76, %dma_wait3A_77] : memref<4x128x128xf32, #tpu.memory_space<vmem>> -> memref<1x128x128xf32, #tpu.memory_space<vmem>>
    %dma_wait3A_79 = tpu.memref_squeeze %dma_wait3A_78 : memref<1x128x128xf32, #tpu.memory_space<vmem>> -> memref<128x128xf32, #tpu.memory_space<vmem>>
    %dma_wait3A_80 = arith.constant 0 : i32
    %dma_wait3A_81 = tpu.memref_slice %arg5[%dma_wait3A_80] : memref<25600xi32, #tpu.memory_space<vmem>> -> memref<128xi32, #tpu.memory_space<vmem>>
    %dma_wait3A_82 = arith.constant 0 : i32
    %dma_wait3A_83 = arith.constant 0 : i32
    %dma_wait3A_84 = tpu.memref_slice %arg2[%dma_wait3A_82, %dma_wait3A_83] : memref<100000x128xf32, #tpu.memory_space<hbm>> -> memref<100000x128xf32, #tpu.memory_space<hbm>>
    %dma_wait3A_85 = tpu.memref_slice %arg8[%dma_wait3A_75] : memref<4x!tpu.dma_semaphore, #tpu.memory_space<semaphore_mem>> -> memref<1x!tpu.dma_semaphore, #tpu.memory_space<semaphore_mem>>
    %dma_wait3A_86 = tpu.memref_squeeze %dma_wait3A_85 : memref<1x!tpu.dma_semaphore, #tpu.memory_space<semaphore_mem>> -> memref<!tpu.dma_semaphore, #tpu.memory_space<semaphore_mem>>
    tpu.wait_indirect_dma semaphore(%dma_wait3A_86 : memref<!tpu.dma_semaphore, #tpu.memory_space<semaphore_mem>>) src(%dma_wait3A_84 : memref<100000x128xf32, #tpu.memory_space<hbm>>) dst(%dma_wait3A_79 : memref<128x128xf32, #tpu.memory_space<vmem>>)
    %dma_start3A_87 = arith.constant 1 : i32
    %dma_start3A_88 = arith.constant 1 : i32
    %dma_start3A_89 = arith.constant 1 : i32
    %dma_start3A_90 = arith.constant 0 : i32
    %dma_start3A_91 = arith.constant 0 : i32
    %dma_start3A_92 = tpu.memref_slice %arg6[%dma_start3A_87, %dma_start3A_90, %dma_start3A_91] : memref<4x128x128xf32, #tpu.memory_space<vmem>> -> memref<1x128x128xf32, #tpu.memory_space<vmem>>
    %dma_start3A_93 = tpu.memref_squeeze %dma_start3A_92 : memref<1x128x128xf32, #tpu.memory_space<vmem>> -> memref<128x128xf32, #tpu.memory_space<vmem>>
    %dma_start3A_94 = arith.constant 0 : i32
    %dma_start3A_95 = arith.constant 0 : i32
    %dma_start3A_96 = tpu.memref_slice %arg7[%arg1, %dma_start3A_88, %dma_start3A_94, %dma_start3A_95] : memref<16x2x128x128xf32, #tpu.memory_space<vmem_shared>> -> memref<1x1x128x128xf32, #tpu.memory_space<vmem_shared>>
    %dma_start3A_97 = tpu.memref_squeeze %dma_start3A_96 : memref<1x1x128x128xf32, #tpu.memory_space<vmem_shared>> -> memref<128x128xf32, #tpu.memory_space<vmem_shared>>
    %dma_start3A_98 = tpu.memref_slice %arg9[%dma_start3A_89] : memref<2x!tpu.dma_semaphore, #tpu.memory_space<semaphore_mem>> -> memref<1x!tpu.dma_semaphore, #tpu.memory_space<semaphore_mem>>
    %dma_start3A_99 = tpu.memref_squeeze %dma_start3A_98 : memref<1x!tpu.dma_semaphore, #tpu.memory_space<semaphore_mem>> -> memref<!tpu.dma_semaphore, #tpu.memory_space<semaphore_mem>>
    %dma_start3A_100 = arith.constant 0 : i32
    %dma_start3A_101 = arith.constant 0 : i32
    %dma_start3A_102 = tpu.memref_slice %arg7[%arg1, %dma_start3A_88, %dma_start3A_100, %dma_start3A_101] : memref<16x2x128x128xf32, #tpu.memory_space<vmem_shared>> -> memref<1x1x128x128xf32, #tpu.memory_space<vmem_shared>>
    %dma_start3A_103 = tpu.memref_squeeze %dma_start3A_102 : memref<1x1x128x128xf32, #tpu.memory_space<vmem_shared>> -> memref<128x128xf32, #tpu.memory_space<vmem_shared>>
    %dma_start3A_104 = arith.constant 0 : i32
    %dma_start3A_105 = arith.constant 0 : i32
    %dma_start3A_106 = tpu.memref_slice %arg6[%dma_start3A_87, %dma_start3A_104, %dma_start3A_105] : memref<4x128x128xf32, #tpu.memory_space<vmem>> -> memref<1x128x128xf32, #tpu.memory_space<vmem>>
    %dma_start3A_107 = tpu.memref_squeeze %dma_start3A_106 : memref<1x128x128xf32, #tpu.memory_space<vmem>> -> memref<128x128xf32, #tpu.memory_space<vmem>>
    tpu.enqueue_dma source(%dma_start3A_107 : memref<128x128xf32, #tpu.memory_space<vmem>>) target(%dma_start3A_103 : memref<128x128xf32, #tpu.memory_space<vmem_shared>>) target_semaphore(%dma_start3A_99 : memref<!tpu.dma_semaphore, #tpu.memory_space<semaphore_mem>>)
    %dma_wait3A_108 = arith.constant 0 : i32
    %dma_wait3A_109 = arith.constant 0 : i32
    %dma_wait3A_110 = arith.constant 0 : i32
    %dma_wait3A_111 = arith.constant 0 : i32
    %dma_wait3A_112 = arith.constant 0 : i32
    %dma_wait3A_113 = tpu.memref_slice %arg6[%dma_wait3A_108, %dma_wait3A_111, %dma_wait3A_112] : memref<4x128x128xf32, #tpu.memory_space<vmem>> -> memref<1x128x128xf32, #tpu.memory_space<vmem>>
    %dma_wait3A_114 = tpu.memref_squeeze %dma_wait3A_113 : memref<1x128x128xf32, #tpu.memory_space<vmem>> -> memref<128x128xf32, #tpu.memory_space<vmem>>
    %dma_wait3A_115 = arith.constant 0 : i32
    %dma_wait3A_116 = arith.constant 0 : i32
    %dma_wait3A_117 = tpu.memref_slice %arg7[%arg1, %dma_wait3A_109, %dma_wait3A_115, %dma_wait3A_116] : memref<16x2x128x128xf32, #tpu.memory_space<vmem_shared>> -> memref<1x1x128x128xf32, #tpu.memory_space<vmem_shared>>
    %dma_wait3A_118 = tpu.memref_squeeze %dma_wait3A_117 : memref<1x1x128x128xf32, #tpu.memory_space<vmem_shared>> -> memref<128x128xf32, #tpu.memory_space<vmem_shared>>
    %dma_wait3A_119 = tpu.memref_slice %arg9[%dma_wait3A_110] : memref<2x!tpu.dma_semaphore, #tpu.memory_space<semaphore_mem>> -> memref<1x!tpu.dma_semaphore, #tpu.memory_space<semaphore_mem>>
    %dma_wait3A_120 = tpu.memref_squeeze %dma_wait3A_119 : memref<1x!tpu.dma_semaphore, #tpu.memory_space<semaphore_mem>> -> memref<!tpu.dma_semaphore, #tpu.memory_space<semaphore_mem>>
    %dma_wait3A_121 = arith.constant 0 : i32
    %dma_wait3A_122 = arith.constant 0 : i32
    %dma_wait3A_123 = tpu.memref_slice %arg7[%arg1, %dma_wait3A_109, %dma_wait3A_121, %dma_wait3A_122] : memref<16x2x128x128xf32, #tpu.memory_space<vmem_shared>> -> memref<1x1x128x128xf32, #tpu.memory_space<vmem_shared>>
    %dma_wait3A_124 = tpu.memref_squeeze %dma_wait3A_123 : memref<1x1x128x128xf32, #tpu.memory_space<vmem_shared>> -> memref<128x128xf32, #tpu.memory_space<vmem_shared>>
    %dma_wait3A_125 = arith.constant 0 : i32
    %dma_wait3A_126 = arith.constant 0 : i32
    %dma_wait3A_127 = tpu.memref_slice %arg6[%dma_wait3A_108, %dma_wait3A_125, %dma_wait3A_126] : memref<4x128x128xf32, #tpu.memory_space<vmem>> -> memref<1x128x128xf32, #tpu.memory_space<vmem>>
    %dma_wait3A_128 = tpu.memref_squeeze %dma_wait3A_127 : memref<1x128x128xf32, #tpu.memory_space<vmem>> -> memref<128x128xf32, #tpu.memory_space<vmem>>
    tpu.wait_dma2 semaphore(%dma_wait3A_120 : memref<!tpu.dma_semaphore, #tpu.memory_space<semaphore_mem>>) src(%dma_wait3A_128 : memref<128x128xf32, #tpu.memory_space<vmem>>) dst(%dma_wait3A_124 : memref<128x128xf32, #tpu.memory_space<vmem_shared>>)
    %add3A_129 = arith.constant 0 : i32
    %add3A_130 = arith.addi %mul3A_2, %add3A_129 : i32
    %dma_start3A_131 = arith.constant 0 : i32
    %dma_start3A_132 = arith.constant 0 : i32
    %dma_start3A_133 = tpu.memref_slice %arg10[%dma_start3A_132] : memref<2x!tpu.dma_semaphore, #tpu.memory_space<semaphore_mem>> -> memref<1x!tpu.dma_semaphore, #tpu.memory_space<semaphore_mem>>
    %dma_start3A_134 = tpu.memref_squeeze %dma_start3A_133 : memref<1x!tpu.dma_semaphore, #tpu.memory_space<semaphore_mem>> -> memref<!tpu.dma_semaphore, #tpu.memory_space<semaphore_mem>>
    %dma_start3A_135 = arith.constant 0 : i32
    %dma_start3A_136 = tpu.memref_slice %arg4[%add3A_130, %dma_start3A_135] : memref<819200x128xf32, #tpu.memory_space<hbm>> -> memref<128x128xf32, #tpu.memory_space<hbm>>
    %dma_start3A_137 = arith.constant 0 : i32
    %dma_start3A_138 = arith.constant 0 : i32
    %dma_start3A_139 = tpu.memref_slice %arg7[%arg1, %dma_start3A_131, %dma_start3A_137, %dma_start3A_138] : memref<16x2x128x128xf32, #tpu.memory_space<vmem_shared>> -> memref<1x1x128x128xf32, #tpu.memory_space<vmem_shared>>
    %dma_start3A_140 = tpu.memref_squeeze %dma_start3A_139 : memref<1x1x128x128xf32, #tpu.memory_space<vmem_shared>> -> memref<128x128xf32, #tpu.memory_space<vmem_shared>>
    tpu.enqueue_dma source(%dma_start3A_140 : memref<128x128xf32, #tpu.memory_space<vmem_shared>>) target(%dma_start3A_136 : memref<128x128xf32, #tpu.memory_space<hbm>>) target_semaphore(%dma_start3A_134 : memref<!tpu.dma_semaphore, #tpu.memory_space<semaphore_mem>>)
    %dma_start3A_141 = arith.constant 3 : i32
    %dma_start3A_142 = arith.constant 3 : i32
    %dma_start3A_143 = arith.constant 0 : i32
    %dma_start3A_144 = arith.constant 0 : i32
    %dma_start3A_145 = tpu.memref_slice %arg6[%dma_start3A_141, %dma_start3A_143, %dma_start3A_144] : memref<4x128x128xf32, #tpu.memory_space<vmem>> -> memref<1x128x128xf32, #tpu.memory_space<vmem>>
    %dma_start3A_146 = tpu.memref_squeeze %dma_start3A_145 : memref<1x128x128xf32, #tpu.memory_space<vmem>> -> memref<128x128xf32, #tpu.memory_space<vmem>>
    %dma_start3A_147 = arith.constant 384 : i32
    %dma_start3A_148 = tpu.memref_slice %arg5[%dma_start3A_147] : memref<25600xi32, #tpu.memory_space<vmem>> -> memref<128xi32, #tpu.memory_space<vmem>>
    %dma_start3A_149 = arith.constant 0 : i32
    %dma_start3A_150 = arith.constant 0 : i32
    %dma_start3A_151 = tpu.memref_slice %arg2[%dma_start3A_149, %dma_start3A_150] : memref<100000x128xf32, #tpu.memory_space<hbm>> -> memref<100000x128xf32, #tpu.memory_space<hbm>>
    %dma_start3A_152 = tpu.memref_slice %arg8[%dma_start3A_142] : memref<4x!tpu.dma_semaphore, #tpu.memory_space<semaphore_mem>> -> memref<1x!tpu.dma_semaphore, #tpu.memory_space<semaphore_mem>>
    %dma_start3A_153 = tpu.memref_squeeze %dma_start3A_152 : memref<1x!tpu.dma_semaphore, #tpu.memory_space<semaphore_mem>> -> memref<!tpu.dma_semaphore, #tpu.memory_space<semaphore_mem>>
    tpu.enqueue_indirect_dma source(%dma_start3A_151 : memref<100000x128xf32, #tpu.memory_space<hbm>>) target(%dma_start3A_146 : memref<128x128xf32, #tpu.memory_space<vmem>>) offsets(%dma_start3A_148 : memref<128xi32, #tpu.memory_space<vmem>>) semaphore(%dma_start3A_153 : memref<!tpu.dma_semaphore, #tpu.memory_space<semaphore_mem>>)
    %dma_wait3A_154 = arith.constant 2 : i32
    %dma_wait3A_155 = arith.constant 2 : i32
    %dma_wait3A_156 = arith.constant 0 : i32
    %dma_wait3A_157 = arith.constant 0 : i32
    %dma_wait3A_158 = tpu.memref_slice %arg6[%dma_wait3A_154, %dma_wait3A_156, %dma_wait3A_157] : memref<4x128x128xf32, #tpu.memory_space<vmem>> -> memref<1x128x128xf32, #tpu.memory_space<vmem>>
    %dma_wait3A_159 = tpu.memref_squeeze %dma_wait3A_158 : memref<1x128x128xf32, #tpu.memory_space<vmem>> -> memref<128x128xf32, #tpu.memory_space<vmem>>
    %dma_wait3A_160 = arith.constant 0 : i32
    %dma_wait3A_161 = tpu.memref_slice %arg5[%dma_wait3A_160] : memref<25600xi32, #tpu.memory_space<vmem>> -> memref<128xi32, #tpu.memory_space<vmem>>
    %dma_wait3A_162 = arith.constant 0 : i32
    %dma_wait3A_163 = arith.constant 0 : i32
    %dma_wait3A_164 = tpu.memref_slice %arg2[%dma_wait3A_162, %dma_wait3A_163] : memref<100000x128xf32, #tpu.memory_space<hbm>> -> memref<100000x128xf32, #tpu.memory_space<hbm>>
    %dma_wait3A_165 = tpu.memref_slice %arg8[%dma_wait3A_155] : memref<4x!tpu.dma_semaphore, #tpu.memory_space<semaphore_mem>> -> memref<1x!tpu.dma_semaphore, #tpu.memory_space<semaphore_mem>>
    %dma_wait3A_166 = tpu.memref_squeeze %dma_wait3A_165 : memref<1x!tpu.dma_semaphore, #tpu.memory_space<semaphore_mem>> -> memref<!tpu.dma_semaphore, #tpu.memory_space<semaphore_mem>>
    tpu.wait_indirect_dma semaphore(%dma_wait3A_166 : memref<!tpu.dma_semaphore, #tpu.memory_space<semaphore_mem>>) src(%dma_wait3A_164 : memref<100000x128xf32, #tpu.memory_space<hbm>>) dst(%dma_wait3A_159 : memref<128x128xf32, #tpu.memory_space<vmem>>)
    %dma_wait3A_167 = arith.constant 0 : i32
    %dma_wait3A_168 = arith.constant 0 : i32
    %dma_wait3A_169 = tpu.memref_slice %arg10[%dma_wait3A_168] : memref<2x!tpu.dma_semaphore, #tpu.memory_space<semaphore_mem>> -> memref<1x!tpu.dma_semaphore, #tpu.memory_space<semaphore_mem>>
    %dma_wait3A_170 = tpu.memref_squeeze %dma_wait3A_169 : memref<1x!tpu.dma_semaphore, #tpu.memory_space<semaphore_mem>> -> memref<!tpu.dma_semaphore, #tpu.memory_space<semaphore_mem>>
    %dma_wait3A_171 = arith.constant 0 : i32
    %dma_wait3A_172 = tpu.memref_slice %arg4[%mul3A_2, %dma_wait3A_171] : memref<819200x128xf32, #tpu.memory_space<hbm>> -> memref<128x128xf32, #tpu.memory_space<hbm>>
    %dma_wait3A_173 = arith.constant 0 : i32
    %dma_wait3A_174 = arith.constant 0 : i32
    %dma_wait3A_175 = tpu.memref_slice %arg7[%arg1, %dma_wait3A_167, %dma_wait3A_173, %dma_wait3A_174] : memref<16x2x128x128xf32, #tpu.memory_space<vmem_shared>> -> memref<1x1x128x128xf32, #tpu.memory_space<vmem_shared>>
    %dma_wait3A_176 = tpu.memref_squeeze %dma_wait3A_175 : memref<1x1x128x128xf32, #tpu.memory_space<vmem_shared>> -> memref<128x128xf32, #tpu.memory_space<vmem_shared>>
    tpu.wait_dma2 semaphore(%dma_wait3A_170 : memref<!tpu.dma_semaphore, #tpu.memory_space<semaphore_mem>>) src(%dma_wait3A_176 : memref<128x128xf32, #tpu.memory_space<vmem_shared>>) dst(%dma_wait3A_172 : memref<128x128xf32, #tpu.memory_space<hbm>>)
    %dma_start3A_177 = arith.constant 2 : i32
    %dma_start3A_178 = arith.constant 0 : i32
    %dma_start3A_179 = arith.constant 0 : i32
    %dma_start3A_180 = arith.constant 0 : i32
    %dma_start3A_181 = arith.constant 0 : i32
    %dma_start3A_182 = tpu.memref_slice %arg6[%dma_start3A_177, %dma_start3A_180, %dma_start3A_181] : memref<4x128x128xf32, #tpu.memory_space<vmem>> -> memref<1x128x128xf32, #tpu.memory_space<vmem>>
    %dma_start3A_183 = tpu.memref_squeeze %dma_start3A_182 : memref<1x128x128xf32, #tpu.memory_space<vmem>> -> memref<128x128xf32, #tpu.memory_space<vmem>>
    %dma_start3A_184 = arith.constant 0 : i32
    %dma_start3A_185 = arith.constant 0 : i32
    %dma_start3A_186 = tpu.memref_slice %arg7[%arg1, %dma_start3A_178, %dma_start3A_184, %dma_start3A_185] : memref<16x2x128x128xf32, #tpu.memory_space<vmem_shared>> -> memref<1x1x128x128xf32, #tpu.memory_space<vmem_shared>>
    %dma_start3A_187 = tpu.memref_squeeze %dma_start3A_186 : memref<1x1x128x128xf32, #tpu.memory_space<vmem_shared>> -> memref<128x128xf32, #tpu.memory_space<vmem_shared>>
    %dma_start3A_188 = tpu.memref_slice %arg9[%dma_start3A_179] : memref<2x!tpu.dma_semaphore, #tpu.memory_space<semaphore_mem>> -> memref<1x!tpu.dma_semaphore, #tpu.memory_space<semaphore_mem>>
    %dma_start3A_189 = tpu.memref_squeeze %dma_start3A_188 : memref<1x!tpu.dma_semaphore, #tpu.memory_space<semaphore_mem>> -> memref<!tpu.dma_semaphore, #tpu.memory_space<semaphore_mem>>
    %dma_start3A_190 = arith.constant 0 : i32
    %dma_start3A_191 = arith.constant 0 : i32
    %dma_start3A_192 = tpu.memref_slice %arg7[%arg1, %dma_start3A_178, %dma_start3A_190, %dma_start3A_191] : memref<16x2x128x128xf32, #tpu.memory_space<vmem_shared>> -> memref<1x1x128x128xf32, #tpu.memory_space<vmem_shared>>
    %dma_start3A_193 = tpu.memref_squeeze %dma_start3A_192 : memref<1x1x128x128xf32, #tpu.memory_space<vmem_shared>> -> memref<128x128xf32, #tpu.memory_space<vmem_shared>>
    %dma_start3A_194 = arith.constant 0 : i32
    %dma_start3A_195 = arith.constant 0 : i32
    %dma_start3A_196 = tpu.memref_slice %arg6[%dma_start3A_177, %dma_start3A_194, %dma_start3A_195] : memref<4x128x128xf32, #tpu.memory_space<vmem>> -> memref<1x128x128xf32, #tpu.memory_space<vmem>>
    %dma_start3A_197 = tpu.memref_squeeze %dma_start3A_196 : memref<1x128x128xf32, #tpu.memory_space<vmem>> -> memref<128x128xf32, #tpu.memory_space<vmem>>
    tpu.enqueue_dma source(%dma_start3A_197 : memref<128x128xf32, #tpu.memory_space<vmem>>) target(%dma_start3A_193 : memref<128x128xf32, #tpu.memory_space<vmem_shared>>) target_semaphore(%dma_start3A_189 : memref<!tpu.dma_semaphore, #tpu.memory_space<semaphore_mem>>)
    %dma_wait3A_198 = arith.constant 0 : i32
    %dma_wait3A_199 = arith.constant 1 : i32
    %dma_wait3A_200 = arith.constant 1 : i32
    %dma_wait3A_201 = arith.constant 0 : i32
    %dma_wait3A_202 = arith.constant 0 : i32
    %dma_wait3A_203 = tpu.memref_slice %arg6[%dma_wait3A_198, %dma_wait3A_201, %dma_wait3A_202] : memref<4x128x128xf32, #tpu.memory_space<vmem>> -> memref<1x128x128xf32, #tpu.memory_space<vmem>>
    %dma_wait3A_204 = tpu.memref_squeeze %dma_wait3A_203 : memref<1x128x128xf32, #tpu.memory_space<vmem>> -> memref<128x128xf32, #tpu.memory_space<vmem>>
    %dma_wait3A_205 = arith.constant 0 : i32
    %dma_wait3A_206 = arith.constant 0 : i32
    %dma_wait3A_207 = tpu.memref_slice %arg7[%arg1, %dma_wait3A_199, %dma_wait3A_205, %dma_wait3A_206] : memref<16x2x128x128xf32, #tpu.memory_space<vmem_shared>> -> memref<1x1x128x128xf32, #tpu.memory_space<vmem_shared>>
    %dma_wait3A_208 = tpu.memref_squeeze %dma_wait3A_207 : memref<1x1x128x128xf32, #tpu.memory_space<vmem_shared>> -> memref<128x128xf32, #tpu.memory_space<vmem_shared>>
    %dma_wait3A_209 = tpu.memref_slice %arg9[%dma_wait3A_200] : memref<2x!tpu.dma_semaphore, #tpu.memory_space<semaphore_mem>> -> memref<1x!tpu.dma_semaphore, #tpu.memory_space<semaphore_mem>>
    %dma_wait3A_210 = tpu.memref_squeeze %dma_wait3A_209 : memref<1x!tpu.dma_semaphore, #tpu.memory_space<semaphore_mem>> -> memref<!tpu.dma_semaphore, #tpu.memory_space<semaphore_mem>>
    %dma_wait3A_211 = arith.constant 0 : i32
    %dma_wait3A_212 = arith.constant 0 : i32
    %dma_wait3A_213 = tpu.memref_slice %arg7[%arg1, %dma_wait3A_199, %dma_wait3A_211, %dma_wait3A_212] : memref<16x2x128x128xf32, #tpu.memory_space<vmem_shared>> -> memref<1x1x128x128xf32, #tpu.memory_space<vmem_shared>>
    %dma_wait3A_214 = tpu.memref_squeeze %dma_wait3A_213 : memref<1x1x128x128xf32, #tpu.memory_space<vmem_shared>> -> memref<128x128xf32, #tpu.memory_space<vmem_shared>>
    %dma_wait3A_215 = arith.constant 0 : i32
    %dma_wait3A_216 = arith.constant 0 : i32
    %dma_wait3A_217 = tpu.memref_slice %arg6[%dma_wait3A_198, %dma_wait3A_215, %dma_wait3A_216] : memref<4x128x128xf32, #tpu.memory_space<vmem>> -> memref<1x128x128xf32, #tpu.memory_space<vmem>>
    %dma_wait3A_218 = tpu.memref_squeeze %dma_wait3A_217 : memref<1x128x128xf32, #tpu.memory_space<vmem>> -> memref<128x128xf32, #tpu.memory_space<vmem>>
    tpu.wait_dma2 semaphore(%dma_wait3A_210 : memref<!tpu.dma_semaphore, #tpu.memory_space<semaphore_mem>>) src(%dma_wait3A_218 : memref<128x128xf32, #tpu.memory_space<vmem>>) dst(%dma_wait3A_214 : memref<128x128xf32, #tpu.memory_space<vmem_shared>>)
    %add3A_219 = arith.constant 128 : i32
    %add3A_220 = arith.addi %mul3A_2, %add3A_219 : i32
    %dma_start3A_221 = arith.constant 1 : i32
    %dma_start3A_222 = arith.constant 1 : i32
    %dma_start3A_223 = tpu.memref_slice %arg10[%dma_start3A_222] : memref<2x!tpu.dma_semaphore, #tpu.memory_space<semaphore_mem>> -> memref<1x!tpu.dma_semaphore, #tpu.memory_space<semaphore_mem>>
    %dma_start3A_224 = tpu.memref_squeeze %dma_start3A_223 : memref<1x!tpu.dma_semaphore, #tpu.memory_space<semaphore_mem>> -> memref<!tpu.dma_semaphore, #tpu.memory_space<semaphore_mem>>
    %dma_start3A_225 = arith.constant 0 : i32
    %dma_start3A_226 = tpu.memref_slice %arg4[%add3A_220, %dma_start3A_225] : memref<819200x128xf32, #tpu.memory_space<hbm>> -> memref<128x128xf32, #tpu.memory_space<hbm>>
    %dma_start3A_227 = arith.constant 0 : i32
    %dma_start3A_228 = arith.constant 0 : i32
    %dma_start3A_229 = tpu.memref_slice %arg7[%arg1, %dma_start3A_221, %dma_start3A_227, %dma_start3A_228] : memref<16x2x128x128xf32, #tpu.memory_space<vmem_shared>> -> memref<1x1x128x128xf32, #tpu.memory_space<vmem_shared>>
    %dma_start3A_230 = tpu.memref_squeeze %dma_start3A_229 : memref<1x1x128x128xf32, #tpu.memory_space<vmem_shared>> -> memref<128x128xf32, #tpu.memory_space<vmem_shared>>
    tpu.enqueue_dma source(%dma_start3A_230 : memref<128x128xf32, #tpu.memory_space<vmem_shared>>) target(%dma_start3A_226 : memref<128x128xf32, #tpu.memory_space<hbm>>) target_semaphore(%dma_start3A_224 : memref<!tpu.dma_semaphore, #tpu.memory_space<semaphore_mem>>)
    %dma_start3A_231 = arith.constant 0 : i32
    %dma_start3A_232 = arith.constant 0 : i32
    %dma_start3A_233 = arith.constant 0 : i32
    %dma_start3A_234 = arith.constant 0 : i32
    %dma_start3A_235 = tpu.memref_slice %arg6[%dma_start3A_231, %dma_start3A_233, %dma_start3A_234] : memref<4x128x128xf32, #tpu.memory_space<vmem>> -> memref<1x128x128xf32, #tpu.memory_space<vmem>>
    %dma_start3A_236 = tpu.memref_squeeze %dma_start3A_235 : memref<1x128x128xf32, #tpu.memory_space<vmem>> -> memref<128x128xf32, #tpu.memory_space<vmem>>
    %dma_start3A_237 = arith.constant 512 : i32
    %dma_start3A_238 = tpu.memref_slice %arg5[%dma_start3A_237] : memref<25600xi32, #tpu.memory_space<vmem>> -> memref<128xi32, #tpu.memory_space<vmem>>
    %dma_start3A_239 = arith.constant 0 : i32
    %dma_start3A_240 = arith.constant 0 : i32
    %dma_start3A_241 = tpu.memref_slice %arg2[%dma_start3A_239, %dma_start3A_240] : memref<100000x128xf32, #tpu.memory_space<hbm>> -> memref<100000x128xf32, #tpu.memory_space<hbm>>
    %dma_start3A_242 = tpu.memref_slice %arg8[%dma_start3A_232] : memref<4x!tpu.dma_semaphore, #tpu.memory_space<semaphore_mem>> -> memref<1x!tpu.dma_semaphore, #tpu.memory_space<semaphore_mem>>
    %dma_start3A_243 = tpu.memref_squeeze %dma_start3A_242 : memref<1x!tpu.dma_semaphore, #tpu.memory_space<semaphore_mem>> -> memref<!tpu.dma_semaphore, #tpu.memory_space<semaphore_mem>>
    tpu.enqueue_indirect_dma source(%dma_start3A_241 : memref<100000x128xf32, #tpu.memory_space<hbm>>) target(%dma_start3A_236 : memref<128x128xf32, #tpu.memory_space<vmem>>) offsets(%dma_start3A_238 : memref<128xi32, #tpu.memory_space<vmem>>) semaphore(%dma_start3A_243 : memref<!tpu.dma_semaphore, #tpu.memory_space<semaphore_mem>>)
    %dma_wait3A_244 = arith.constant 3 : i32
    %dma_wait3A_245 = arith.constant 3 : i32
    %dma_wait3A_246 = arith.constant 0 : i32
    %dma_wait3A_247 = arith.constant 0 : i32
    %dma_wait3A_248 = tpu.memref_slice %arg6[%dma_wait3A_244, %dma_wait3A_246, %dma_wait3A_247] : memref<4x128x128xf32, #tpu.memory_space<vmem>> -> memref<1x128x128xf32, #tpu.memory_space<vmem>>
    %dma_wait3A_249 = tpu.memref_squeeze %dma_wait3A_248 : memref<1x128x128xf32, #tpu.memory_space<vmem>> -> memref<128x128xf32, #tpu.memory_space<vmem>>
    %dma_wait3A_250 = arith.constant 0 : i32
    %dma_wait3A_251 = tpu.memref_slice %arg5[%dma_wait3A_250] : memref<25600xi32, #tpu.memory_space<vmem>> -> memref<128xi32, #tpu.memory_space<vmem>>
    %dma_wait3A_252 = arith.constant 0 : i32
    %dma_wait3A_253 = arith.constant 0 : i32
    %dma_wait3A_254 = tpu.memref_slice %arg2[%dma_wait3A_252, %dma_wait3A_253] : memref<100000x128xf32, #tpu.memory_space<hbm>> -> memref<100000x128xf32, #tpu.memory_space<hbm>>
    %dma_wait3A_255 = tpu.memref_slice %arg8[%dma_wait3A_245] : memref<4x!tpu.dma_semaphore, #tpu.memory_space<semaphore_mem>> -> memref<1x!tpu.dma_semaphore, #tpu.memory_space<semaphore_mem>>
    %dma_wait3A_256 = tpu.memref_squeeze %dma_wait3A_255 : memref<1x!tpu.dma_semaphore, #tpu.memory_space<semaphore_mem>> -> memref<!tpu.dma_semaphore, #tpu.memory_space<semaphore_mem>>
    tpu.wait_indirect_dma semaphore(%dma_wait3A_256 : memref<!tpu.dma_semaphore, #tpu.memory_space<semaphore_mem>>) src(%dma_wait3A_254 : memref<100000x128xf32, #tpu.memory_space<hbm>>) dst(%dma_wait3A_249 : memref<128x128xf32, #tpu.memory_space<vmem>>)
    %dma_wait3A_257 = arith.constant 1 : i32
    %dma_wait3A_258 = arith.constant 1 : i32
    %dma_wait3A_259 = tpu.memref_slice %arg10[%dma_wait3A_258] : memref<2x!tpu.dma_semaphore, #tpu.memory_space<semaphore_mem>> -> memref<1x!tpu.dma_semaphore, #tpu.memory_space<semaphore_mem>>
    %dma_wait3A_260 = tpu.memref_squeeze %dma_wait3A_259 : memref<1x!tpu.dma_semaphore, #tpu.memory_space<semaphore_mem>> -> memref<!tpu.dma_semaphore, #tpu.memory_space<semaphore_mem>>
    %dma_wait3A_261 = arith.constant 0 : i32
    %dma_wait3A_262 = tpu.memref_slice %arg4[%mul3A_2, %dma_wait3A_261] : memref<819200x128xf32, #tpu.memory_space<hbm>> -> memref<128x128xf32, #tpu.memory_space<hbm>>
    %dma_wait3A_263 = arith.constant 0 : i32
    %dma_wait3A_264 = arith.constant 0 : i32
    %dma_wait3A_265 = tpu.memref_slice %arg7[%arg1, %dma_wait3A_257, %dma_wait3A_263, %dma_wait3A_264] : memref<16x2x128x128xf32, #tpu.memory_space<vmem_shared>> -> memref<1x1x128x128xf32, #tpu.memory_space<vmem_shared>>
    %dma_wait3A_266 = tpu.memref_squeeze %dma_wait3A_265 : memref<1x1x128x128xf32, #tpu.memory_space<vmem_shared>> -> memref<128x128xf32, #tpu.memory_space<vmem_shared>>
    tpu.wait_dma2 semaphore(%dma_wait3A_260 : memref<!tpu.dma_semaphore, #tpu.memory_space<semaphore_mem>>) src(%dma_wait3A_266 : memref<128x128xf32, #tpu.memory_space<vmem_shared>>) dst(%dma_wait3A_262 : memref<128x128xf32, #tpu.memory_space<hbm>>)
    %dma_start3A_267 = arith.constant 3 : i32
    %dma_start3A_268 = arith.constant 1 : i32
    %dma_start3A_269 = arith.constant 1 : i32
    %dma_start3A_270 = arith.constant 0 : i32
    %dma_start3A_271 = arith.constant 0 : i32
    %dma_start3A_272 = tpu.memref_slice %arg6[%dma_start3A_267, %dma_start3A_270, %dma_start3A_271] : memref<4x128x128xf32, #tpu.memory_space<vmem>> -> memref<1x128x128xf32, #tpu.memory_space<vmem>>
    %dma_start3A_273 = tpu.memref_squeeze %dma_start3A_272 : memref<1x128x128xf32, #tpu.memory_space<vmem>> -> memref<128x128xf32, #tpu.memory_space<vmem>>
    %dma_start3A_274 = arith.constant 0 : i32
    %dma_start3A_275 = arith.constant 0 : i32
    %dma_start3A_276 = tpu.memref_slice %arg7[%arg1, %dma_start3A_268, %dma_start3A_274, %dma_start3A_275] : memref<16x2x128x128xf32, #tpu.memory_space<vmem_shared>> -> memref<1x1x128x128xf32, #tpu.memory_space<vmem_shared>>
    %dma_start3A_277 = tpu.memref_squeeze %dma_start3A_276 : memref<1x1x128x128xf32, #tpu.memory_space<vmem_shared>> -> memref<128x128xf32, #tpu.memory_space<vmem_shared>>
    %dma_start3A_278 = tpu.memref_slice %arg9[%dma_start3A_269] : memref<2x!tpu.dma_semaphore, #tpu.memory_space<semaphore_mem>> -> memref<1x!tpu.dma_semaphore, #tpu.memory_space<semaphore_mem>>
    %dma_start3A_279 = tpu.memref_squeeze %dma_start3A_278 : memref<1x!tpu.dma_semaphore, #tpu.memory_space<semaphore_mem>> -> memref<!tpu.dma_semaphore, #tpu.memory_space<semaphore_mem>>
    %dma_start3A_280 = arith.constant 0 : i32
    %dma_start3A_281 = arith.constant 0 : i32
    %dma_start3A_282 = tpu.memref_slice %arg7[%arg1, %dma_start3A_268, %dma_start3A_280, %dma_start3A_281] : memref<16x2x128x128xf32, #tpu.memory_space<vmem_shared>> -> memref<1x1x128x128xf32, #tpu.memory_space<vmem_shared>>
    %dma_start3A_283 = tpu.memref_squeeze %dma_start3A_282 : memref<1x1x128x128xf32, #tpu.memory_space<vmem_shared>> -> memref<128x128xf32, #tpu.memory_space<vmem_shared>>
    %dma_start3A_284 = arith.constant 0 : i32
    %dma_start3A_285 = arith.constant 0 : i32
    %dma_start3A_286 = tpu.memref_slice %arg6[%dma_start3A_267, %dma_start3A_284, %dma_start3A_285] : memref<4x128x128xf32, #tpu.memory_space<vmem>> -> memref<1x128x128xf32, #tpu.memory_space<vmem>>
    %dma_start3A_287 = tpu.memref_squeeze %dma_start3A_286 : memref<1x128x128xf32, #tpu.memory_space<vmem>> -> memref<128x128xf32, #tpu.memory_space<vmem>>
    tpu.enqueue_dma source(%dma_start3A_287 : memref<128x128xf32, #tpu.memory_space<vmem>>) target(%dma_start3A_283 : memref<128x128xf32, #tpu.memory_space<vmem_shared>>) target_semaphore(%dma_start3A_279 : memref<!tpu.dma_semaphore, #tpu.memory_space<semaphore_mem>>)
    %dma_wait3A_288 = arith.constant 0 : i32
    %dma_wait3A_289 = arith.constant 0 : i32
    %dma_wait3A_290 = arith.constant 0 : i32
    %dma_wait3A_291 = arith.constant 0 : i32
    %dma_wait3A_292 = arith.constant 0 : i32
    %dma_wait3A_293 = tpu.memref_slice %arg6[%dma_wait3A_288, %dma_wait3A_291, %dma_wait3A_292] : memref<4x128x128xf32, #tpu.memory_space<vmem>> -> memref<1x128x128xf32, #tpu.memory_space<vmem>>
    %dma_wait3A_294 = tpu.memref_squeeze %dma_wait3A_293 : memref<1x128x128xf32, #tpu.memory_space<vmem>> -> memref<128x128xf32, #tpu.memory_space<vmem>>
    %dma_wait3A_295 = arith.constant 0 : i32
    %dma_wait3A_296 = arith.constant 0 : i32
    %dma_wait3A_297 = tpu.memref_slice %arg7[%arg1, %dma_wait3A_289, %dma_wait3A_295, %dma_wait3A_296] : memref<16x2x128x128xf32, #tpu.memory_space<vmem_shared>> -> memref<1x1x128x128xf32, #tpu.memory_space<vmem_shared>>
    %dma_wait3A_298 = tpu.memref_squeeze %dma_wait3A_297 : memref<1x1x128x128xf32, #tpu.memory_space<vmem_shared>> -> memref<128x128xf32, #tpu.memory_space<vmem_shared>>
    %dma_wait3A_299 = tpu.memref_slice %arg9[%dma_wait3A_290] : memref<2x!tpu.dma_semaphore, #tpu.memory_space<semaphore_mem>> -> memref<1x!tpu.dma_semaphore, #tpu.memory_space<semaphore_mem>>
    %dma_wait3A_300 = tpu.memref_squeeze %dma_wait3A_299 : memref<1x!tpu.dma_semaphore, #tpu.memory_space<semaphore_mem>> -> memref<!tpu.dma_semaphore, #tpu.memory_space<semaphore_mem>>
    %dma_wait3A_301 = arith.constant 0 : i32
    %dma_wait3A_302 = arith.constant 0 : i32
    %dma_wait3A_303 = tpu.memref_slice %arg7[%arg1, %dma_wait3A_289, %dma_wait3A_301, %dma_wait3A_302] : memref<16x2x128x128xf32, #tpu.memory_space<vmem_shared>> -> memref<1x1x128x128xf32, #tpu.memory_space<vmem_shared>>
    %dma_wait3A_304 = tpu.memref_squeeze %dma_wait3A_303 : memref<1x1x128x128xf32, #tpu.memory_space<vmem_shared>> -> memref<128x128xf32, #tpu.memory_space<vmem_shared>>
    %dma_wait3A_305 = arith.constant 0 : i32
    %dma_wait3A_306 = arith.constant 0 : i32
    %dma_wait3A_307 = tpu.memref_slice %arg6[%dma_wait3A_288, %dma_wait3A_305, %dma_wait3A_306] : memref<4x128x128xf32, #tpu.memory_space<vmem>> -> memref<1x128x128xf32, #tpu.memory_space<vmem>>
    %dma_wait3A_308 = tpu.memref_squeeze %dma_wait3A_307 : memref<1x128x128xf32, #tpu.memory_space<vmem>> -> memref<128x128xf32, #tpu.memory_space<vmem>>
    tpu.wait_dma2 semaphore(%dma_wait3A_300 : memref<!tpu.dma_semaphore, #tpu.memory_space<semaphore_mem>>) src(%dma_wait3A_308 : memref<128x128xf32, #tpu.memory_space<vmem>>) dst(%dma_wait3A_304 : memref<128x128xf32, #tpu.memory_space<vmem_shared>>)
    %add3A_309 = arith.constant 256 : i32
    %add3A_310 = arith.addi %mul3A_2, %add3A_309 : i32
    %dma_start3A_311 = arith.constant 0 : i32
    %dma_start3A_312 = arith.constant 0 : i32
    %dma_start3A_313 = tpu.memref_slice %arg10[%dma_start3A_312] : memref<2x!tpu.dma_semaphore, #tpu.memory_space<semaphore_mem>> -> memref<1x!tpu.dma_semaphore, #tpu.memory_space<semaphore_mem>>
    %dma_start3A_314 = tpu.memref_squeeze %dma_start3A_313 : memref<1x!tpu.dma_semaphore, #tpu.memory_space<semaphore_mem>> -> memref<!tpu.dma_semaphore, #tpu.memory_space<semaphore_mem>>
    %dma_start3A_315 = arith.constant 0 : i32
    %dma_start3A_316 = tpu.memref_slice %arg4[%add3A_310, %dma_start3A_315] : memref<819200x128xf32, #tpu.memory_space<hbm>> -> memref<128x128xf32, #tpu.memory_space<hbm>>
    %dma_start3A_317 = arith.constant 0 : i32
    %dma_start3A_318 = arith.constant 0 : i32
    %dma_start3A_319 = tpu.memref_slice %arg7[%arg1, %dma_start3A_311, %dma_start3A_317, %dma_start3A_318] : memref<16x2x128x128xf32, #tpu.memory_space<vmem_shared>> -> memref<1x1x128x128xf32, #tpu.memory_space<vmem_shared>>
    %dma_start3A_320 = tpu.memref_squeeze %dma_start3A_319 : memref<1x1x128x128xf32, #tpu.memory_space<vmem_shared>> -> memref<128x128xf32, #tpu.memory_space<vmem_shared>>
    tpu.enqueue_dma source(%dma_start3A_320 : memref<128x128xf32, #tpu.memory_space<vmem_shared>>) target(%dma_start3A_316 : memref<128x128xf32, #tpu.memory_space<hbm>>) target_semaphore(%dma_start3A_314 : memref<!tpu.dma_semaphore, #tpu.memory_space<semaphore_mem>>)
    %dma_start3A_321 = arith.constant 1 : i32
    %dma_start3A_322 = arith.constant 1 : i32
    %dma_start3A_323 = arith.constant 0 : i32
    %dma_start3A_324 = arith.constant 0 : i32
    %dma_start3A_325 = tpu.memref_slice %arg6[%dma_start3A_321, %dma_start3A_323, %dma_start3A_324] : memref<4x128x128xf32, #tpu.memory_space<vmem>> -> memref<1x128x128xf32, #tpu.memory_space<vmem>>
    %dma_start3A_326 = tpu.memref_squeeze %dma_start3A_325 : memref<1x128x128xf32, #tpu.memory_space<vmem>> -> memref<128x128xf32, #tpu.memory_space<vmem>>
    %dma_start3A_327 = arith.constant 640 : i32
    %dma_start3A_328 = tpu.memref_slice %arg5[%dma_start3A_327] : memref<25600xi32, #tpu.memory_space<vmem>> -> memref<128xi32, #tpu.memory_space<vmem>>
    %dma_start3A_329 = arith.constant 0 : i32
    %dma_start3A_330 = arith.constant 0 : i32
    %dma_start3A_331 = tpu.memref_slice %arg2[%dma_start3A_329, %dma_start3A_330] : memref<100000x128xf32, #tpu.memory_space<hbm>> -> memref<100000x128xf32, #tpu.memory_space<hbm>>
    %dma_start3A_332 = tpu.memref_slice %arg8[%dma_start3A_322] : memref<4x!tpu.dma_semaphore, #tpu.memory_space<semaphore_mem>> -> memref<1x!tpu.dma_semaphore, #tpu.memory_space<semaphore_mem>>
    %dma_start3A_333 = tpu.memref_squeeze %dma_start3A_332 : memref<1x!tpu.dma_semaphore, #tpu.memory_space<semaphore_mem>> -> memref<!tpu.dma_semaphore, #tpu.memory_space<semaphore_mem>>
    tpu.enqueue_indirect_dma source(%dma_start3A_331 : memref<100000x128xf32, #tpu.memory_space<hbm>>) target(%dma_start3A_326 : memref<128x128xf32, #tpu.memory_space<vmem>>) offsets(%dma_start3A_328 : memref<128xi32, #tpu.memory_space<vmem>>) semaphore(%dma_start3A_333 : memref<!tpu.dma_semaphore, #tpu.memory_space<semaphore_mem>>)
    %scan3A = arith.constant 0 : i32
    %scan3A_334 = arith.constant 1 : i32
    %scan3A_335 = arith.constant 48 : i32
    %scan3A_336 = arith.addi %scan3A_334, %scan3A_335 : i32
    %scan3A_337 = arith.constant 1 : i32
    scf.for %scan3A_726 = %scan3A_334 to %scan3A_336 step %scan3A_337  : i32 {
      %mul3A_727 = arith.constant 4 : i32
      %mul3A_728 = arith.muli %scan3A_726, %mul3A_727 : i32
      %add3A_729 = arith.constant 0 : i32
      %add3A_730 = arith.addi %mul3A_728, %add3A_729 : i32
      %dma_wait3A_731 = arith.constant 0 : i32
      %dma_wait3A_732 = arith.constant 0 : i32
      %dma_wait3A_733 = arith.constant 0 : i32
      %dma_wait3A_734 = arith.constant 0 : i32
      %dma_wait3A_735 = tpu.memref_slice %arg6[%dma_wait3A_731, %dma_wait3A_733, %dma_wait3A_734] : memref<4x128x128xf32, #tpu.memory_space<vmem>> -> memref<1x128x128xf32, #tpu.memory_space<vmem>>
      %dma_wait3A_736 = tpu.memref_squeeze %dma_wait3A_735 : memref<1x128x128xf32, #tpu.memory_space<vmem>> -> memref<128x128xf32, #tpu.memory_space<vmem>>
      %dma_wait3A_737 = arith.constant 0 : i32
      %dma_wait3A_738 = tpu.memref_slice %arg5[%dma_wait3A_737] : memref<25600xi32, #tpu.memory_space<vmem>> -> memref<128xi32, #tpu.memory_space<vmem>>
      %dma_wait3A_739 = arith.constant 0 : i32
      %dma_wait3A_740 = arith.constant 0 : i32
      %dma_wait3A_741 = tpu.memref_slice %arg2[%dma_wait3A_739, %dma_wait3A_740] : memref<100000x128xf32, #tpu.memory_space<hbm>> -> memref<100000x128xf32, #tpu.memory_space<hbm>>
      %dma_wait3A_742 = tpu.memref_slice %arg8[%dma_wait3A_732] : memref<4x!tpu.dma_semaphore, #tpu.memory_space<semaphore_mem>> -> memref<1x!tpu.dma_semaphore, #tpu.memory_space<semaphore_mem>>
      %dma_wait3A_743 = tpu.memref_squeeze %dma_wait3A_742 : memref<1x!tpu.dma_semaphore, #tpu.memory_space<semaphore_mem>> -> memref<!tpu.dma_semaphore, #tpu.memory_space<semaphore_mem>>
      tpu.wait_indirect_dma semaphore(%dma_wait3A_743 : memref<!tpu.dma_semaphore, #tpu.memory_space<semaphore_mem>>) src(%dma_wait3A_741 : memref<100000x128xf32, #tpu.memory_space<hbm>>) dst(%dma_wait3A_736 : memref<128x128xf32, #tpu.memory_space<vmem>>)
      %dma_wait3A_744 = arith.constant 0 : i32
      %dma_wait3A_745 = arith.constant 0 : i32
      %dma_wait3A_746 = tpu.memref_slice %arg10[%dma_wait3A_745] : memref<2x!tpu.dma_semaphore, #tpu.memory_space<semaphore_mem>> -> memref<1x!tpu.dma_semaphore, #tpu.memory_space<semaphore_mem>>
      %dma_wait3A_747 = tpu.memref_squeeze %dma_wait3A_746 : memref<1x!tpu.dma_semaphore, #tpu.memory_space<semaphore_mem>> -> memref<!tpu.dma_semaphore, #tpu.memory_space<semaphore_mem>>
      %dma_wait3A_748 = arith.constant 0 : i32
      %dma_wait3A_749 = tpu.memref_slice %arg4[%mul3A_2, %dma_wait3A_748] : memref<819200x128xf32, #tpu.memory_space<hbm>> -> memref<128x128xf32, #tpu.memory_space<hbm>>
      %dma_wait3A_750 = arith.constant 0 : i32
      %dma_wait3A_751 = arith.constant 0 : i32
      %dma_wait3A_752 = tpu.memref_slice %arg7[%arg1, %dma_wait3A_744, %dma_wait3A_750, %dma_wait3A_751] : memref<16x2x128x128xf32, #tpu.memory_space<vmem_shared>> -> memref<1x1x128x128xf32, #tpu.memory_space<vmem_shared>>
      %dma_wait3A_753 = tpu.memref_squeeze %dma_wait3A_752 : memref<1x1x128x128xf32, #tpu.memory_space<vmem_shared>> -> memref<128x128xf32, #tpu.memory_space<vmem_shared>>
      tpu.wait_dma2 semaphore(%dma_wait3A_747 : memref<!tpu.dma_semaphore, #tpu.memory_space<semaphore_mem>>) src(%dma_wait3A_753 : memref<128x128xf32, #tpu.memory_space<vmem_shared>>) dst(%dma_wait3A_749 : memref<128x128xf32, #tpu.memory_space<hbm>>)
      %dma_start3A_754 = arith.constant 0 : i32
      %dma_start3A_755 = arith.constant 0 : i32
      %dma_start3A_756 = arith.constant 0 : i32
      %dma_start3A_757 = arith.constant 0 : i32
      %dma_start3A_758 = arith.constant 0 : i32
      %dma_start3A_759 = tpu.memref_slice %arg6[%dma_start3A_754, %dma_start3A_757, %dma_start3A_758] : memref<4x128x128xf32, #tpu.memory_space<vmem>> -> memref<1x128x128xf32, #tpu.memory_space<vmem>>
      %dma_start3A_760 = tpu.memref_squeeze %dma_start3A_759 : memref<1x128x128xf32, #tpu.memory_space<vmem>> -> memref<128x128xf32, #tpu.memory_space<vmem>>
      %dma_start3A_761 = arith.constant 0 : i32
      %dma_start3A_762 = arith.constant 0 : i32
      %dma_start3A_763 = tpu.memref_slice %arg7[%arg1, %dma_start3A_755, %dma_start3A_761, %dma_start3A_762] : memref<16x2x128x128xf32, #tpu.memory_space<vmem_shared>> -> memref<1x1x128x128xf32, #tpu.memory_space<vmem_shared>>
      %dma_start3A_764 = tpu.memref_squeeze %dma_start3A_763 : memref<1x1x128x128xf32, #tpu.memory_space<vmem_shared>> -> memref<128x128xf32, #tpu.memory_space<vmem_shared>>
      %dma_start3A_765 = tpu.memref_slice %arg9[%dma_start3A_756] : memref<2x!tpu.dma_semaphore, #tpu.memory_space<semaphore_mem>> -> memref<1x!tpu.dma_semaphore, #tpu.memory_space<semaphore_mem>>
      %dma_start3A_766 = tpu.memref_squeeze %dma_start3A_765 : memref<1x!tpu.dma_semaphore, #tpu.memory_space<semaphore_mem>> -> memref<!tpu.dma_semaphore, #tpu.memory_space<semaphore_mem>>
      %dma_start3A_767 = arith.constant 0 : i32
      %dma_start3A_768 = arith.constant 0 : i32
      %dma_start3A_769 = tpu.memref_slice %arg7[%arg1, %dma_start3A_755, %dma_start3A_767, %dma_start3A_768] : memref<16x2x128x128xf32, #tpu.memory_space<vmem_shared>> -> memref<1x1x128x128xf32, #tpu.memory_space<vmem_shared>>
      %dma_start3A_770 = tpu.memref_squeeze %dma_start3A_769 : memref<1x1x128x128xf32, #tpu.memory_space<vmem_shared>> -> memref<128x128xf32, #tpu.memory_space<vmem_shared>>
      %dma_start3A_771 = arith.constant 0 : i32
      %dma_start3A_772 = arith.constant 0 : i32
      %dma_start3A_773 = tpu.memref_slice %arg6[%dma_start3A_754, %dma_start3A_771, %dma_start3A_772] : memref<4x128x128xf32, #tpu.memory_space<vmem>> -> memref<1x128x128xf32, #tpu.memory_space<vmem>>
      %dma_start3A_774 = tpu.memref_squeeze %dma_start3A_773 : memref<1x128x128xf32, #tpu.memory_space<vmem>> -> memref<128x128xf32, #tpu.memory_space<vmem>>
      tpu.enqueue_dma source(%dma_start3A_774 : memref<128x128xf32, #tpu.memory_space<vmem>>) target(%dma_start3A_770 : memref<128x128xf32, #tpu.memory_space<vmem_shared>>) target_semaphore(%dma_start3A_766 : memref<!tpu.dma_semaphore, #tpu.memory_space<semaphore_mem>>)
      %dma_wait3A_775 = arith.constant 0 : i32
      %dma_wait3A_776 = arith.constant 1 : i32
      %dma_wait3A_777 = arith.constant 1 : i32
      %dma_wait3A_778 = arith.constant 0 : i32
      %dma_wait3A_779 = arith.constant 0 : i32
      %dma_wait3A_780 = tpu.memref_slice %arg6[%dma_wait3A_775, %dma_wait3A_778, %dma_wait3A_779] : memref<4x128x128xf32, #tpu.memory_space<vmem>> -> memref<1x128x128xf32, #tpu.memory_space<vmem>>
      %dma_wait3A_781 = tpu.memref_squeeze %dma_wait3A_780 : memref<1x128x128xf32, #tpu.memory_space<vmem>> -> memref<128x128xf32, #tpu.memory_space<vmem>>
      %dma_wait3A_782 = arith.constant 0 : i32
      %dma_wait3A_783 = arith.constant 0 : i32
      %dma_wait3A_784 = tpu.memref_slice %arg7[%arg1, %dma_wait3A_776, %dma_wait3A_782, %dma_wait3A_783] : memref<16x2x128x128xf32, #tpu.memory_space<vmem_shared>> -> memref<1x1x128x128xf32, #tpu.memory_space<vmem_shared>>
      %dma_wait3A_785 = tpu.memref_squeeze %dma_wait3A_784 : memref<1x1x128x128xf32, #tpu.memory_space<vmem_shared>> -> memref<128x128xf32, #tpu.memory_space<vmem_shared>>
      %dma_wait3A_786 = tpu.memref_slice %arg9[%dma_wait3A_777] : memref<2x!tpu.dma_semaphore, #tpu.memory_space<semaphore_mem>> -> memref<1x!tpu.dma_semaphore, #tpu.memory_space<semaphore_mem>>
      %dma_wait3A_787 = tpu.memref_squeeze %dma_wait3A_786 : memref<1x!tpu.dma_semaphore, #tpu.memory_space<semaphore_mem>> -> memref<!tpu.dma_semaphore, #tpu.memory_space<semaphore_mem>>
      %dma_wait3A_788 = arith.constant 0 : i32
      %dma_wait3A_789 = arith.constant 0 : i32
      %dma_wait3A_790 = tpu.memref_slice %arg7[%arg1, %dma_wait3A_776, %dma_wait3A_788, %dma_wait3A_789] : memref<16x2x128x128xf32, #tpu.memory_space<vmem_shared>> -> memref<1x1x128x128xf32, #tpu.memory_space<vmem_shared>>
      %dma_wait3A_791 = tpu.memref_squeeze %dma_wait3A_790 : memref<1x1x128x128xf32, #tpu.memory_space<vmem_shared>> -> memref<128x128xf32, #tpu.memory_space<vmem_shared>>
      %dma_wait3A_792 = arith.constant 0 : i32
      %dma_wait3A_793 = arith.constant 0 : i32
      %dma_wait3A_794 = tpu.memref_slice %arg6[%dma_wait3A_775, %dma_wait3A_792, %dma_wait3A_793] : memref<4x128x128xf32, #tpu.memory_space<vmem>> -> memref<1x128x128xf32, #tpu.memory_space<vmem>>
      %dma_wait3A_795 = tpu.memref_squeeze %dma_wait3A_794 : memref<1x128x128xf32, #tpu.memory_space<vmem>> -> memref<128x128xf32, #tpu.memory_space<vmem>>
      tpu.wait_dma2 semaphore(%dma_wait3A_787 : memref<!tpu.dma_semaphore, #tpu.memory_space<semaphore_mem>>) src(%dma_wait3A_795 : memref<128x128xf32, #tpu.memory_space<vmem>>) dst(%dma_wait3A_791 : memref<128x128xf32, #tpu.memory_space<vmem_shared>>)
      %sub3A = arith.constant 1 : i32
      %sub3A_796 = arith.subi %add3A_730, %sub3A : i32
      %mul3A_797 = arith.constant 128 : i32
      %mul3A_798 = arith.muli %sub3A_796, %mul3A_797 : i32
      %add3A_799 = arith.addi %mul3A_2, %mul3A_798 : i32
      %dma_start3A_800 = arith.constant 1 : i32
      %dma_start3A_801 = arith.constant 1 : i32
      %dma_start3A_802 = tpu.memref_slice %arg10[%dma_start3A_801] : memref<2x!tpu.dma_semaphore, #tpu.memory_space<semaphore_mem>> -> memref<1x!tpu.dma_semaphore, #tpu.memory_space<semaphore_mem>>
      %dma_start3A_803 = tpu.memref_squeeze %dma_start3A_802 : memref<1x!tpu.dma_semaphore, #tpu.memory_space<semaphore_mem>> -> memref<!tpu.dma_semaphore, #tpu.memory_space<semaphore_mem>>
      %dma_start3A_804 = arith.constant 0 : i32
      %dma_start3A_805 = tpu.memref_slice %arg4[%add3A_799, %dma_start3A_804] : memref<819200x128xf32, #tpu.memory_space<hbm>> -> memref<128x128xf32, #tpu.memory_space<hbm>>
      %dma_start3A_806 = arith.constant 0 : i32
      %dma_start3A_807 = arith.constant 0 : i32
      %dma_start3A_808 = tpu.memref_slice %arg7[%arg1, %dma_start3A_800, %dma_start3A_806, %dma_start3A_807] : memref<16x2x128x128xf32, #tpu.memory_space<vmem_shared>> -> memref<1x1x128x128xf32, #tpu.memory_space<vmem_shared>>
      %dma_start3A_809 = tpu.memref_squeeze %dma_start3A_808 : memref<1x1x128x128xf32, #tpu.memory_space<vmem_shared>> -> memref<128x128xf32, #tpu.memory_space<vmem_shared>>
      tpu.enqueue_dma source(%dma_start3A_809 : memref<128x128xf32, #tpu.memory_space<vmem_shared>>) target(%dma_start3A_805 : memref<128x128xf32, #tpu.memory_space<hbm>>) target_semaphore(%dma_start3A_803 : memref<!tpu.dma_semaphore, #tpu.memory_space<semaphore_mem>>)
      %add3A_810 = arith.constant 2 : i32
      %add3A_811 = arith.addi %add3A_730, %add3A_810 : i32
      %mul3A_812 = arith.constant 128 : i32
      %mul3A_813 = arith.muli %add3A_811, %mul3A_812 : i32
      %dma_start3A_814 = arith.constant 2 : i32
      %dma_start3A_815 = arith.constant 2 : i32
      %dma_start3A_816 = arith.constant 0 : i32
      %dma_start3A_817 = arith.constant 0 : i32
      %dma_start3A_818 = tpu.memref_slice %arg6[%dma_start3A_814, %dma_start3A_816, %dma_start3A_817] : memref<4x128x128xf32, #tpu.memory_space<vmem>> -> memref<1x128x128xf32, #tpu.memory_space<vmem>>
      %dma_start3A_819 = tpu.memref_squeeze %dma_start3A_818 : memref<1x128x128xf32, #tpu.memory_space<vmem>> -> memref<128x128xf32, #tpu.memory_space<vmem>>
      %dma_start3A_820 = tpu.memref_slice %arg5[%mul3A_813] : memref<25600xi32, #tpu.memory_space<vmem>> -> memref<128xi32, #tpu.memory_space<vmem>>
      %dma_start3A_821 = arith.constant 0 : i32
      %dma_start3A_822 = arith.constant 0 : i32
      %dma_start3A_823 = tpu.memref_slice %arg2[%dma_start3A_821, %dma_start3A_822] : memref<100000x128xf32, #tpu.memory_space<hbm>> -> memref<100000x128xf32, #tpu.memory_space<hbm>>
      %dma_start3A_824 = tpu.memref_slice %arg8[%dma_start3A_815] : memref<4x!tpu.dma_semaphore, #tpu.memory_space<semaphore_mem>> -> memref<1x!tpu.dma_semaphore, #tpu.memory_space<semaphore_mem>>
      %dma_start3A_825 = tpu.memref_squeeze %dma_start3A_824 : memref<1x!tpu.dma_semaphore, #tpu.memory_space<semaphore_mem>> -> memref<!tpu.dma_semaphore, #tpu.memory_space<semaphore_mem>>
      tpu.enqueue_indirect_dma source(%dma_start3A_823 : memref<100000x128xf32, #tpu.memory_space<hbm>>) target(%dma_start3A_819 : memref<128x128xf32, #tpu.memory_space<vmem>>) offsets(%dma_start3A_820 : memref<128xi32, #tpu.memory_space<vmem>>) semaphore(%dma_start3A_825 : memref<!tpu.dma_semaphore, #tpu.memory_space<semaphore_mem>>)
      %add3A_826 = arith.constant 1 : i32
      %add3A_827 = arith.addi %mul3A_728, %add3A_826 : i32
      %dma_wait3A_828 = arith.constant 1 : i32
      %dma_wait3A_829 = arith.constant 1 : i32
      %dma_wait3A_830 = arith.constant 0 : i32
      %dma_wait3A_831 = arith.constant 0 : i32
      %dma_wait3A_832 = tpu.memref_slice %arg6[%dma_wait3A_828, %dma_wait3A_830, %dma_wait3A_831] : memref<4x128x128xf32, #tpu.memory_space<vmem>> -> memref<1x128x128xf32, #tpu.memory_space<vmem>>
      %dma_wait3A_833 = tpu.memref_squeeze %dma_wait3A_832 : memref<1x128x128xf32, #tpu.memory_space<vmem>> -> memref<128x128xf32, #tpu.memory_space<vmem>>
      %dma_wait3A_834 = arith.constant 0 : i32
      %dma_wait3A_835 = tpu.memref_slice %arg5[%dma_wait3A_834] : memref<25600xi32, #tpu.memory_space<vmem>> -> memref<128xi32, #tpu.memory_space<vmem>>
      %dma_wait3A_836 = arith.constant 0 : i32
      %dma_wait3A_837 = arith.constant 0 : i32
      %dma_wait3A_838 = tpu.memref_slice %arg2[%dma_wait3A_836, %dma_wait3A_837] : memref<100000x128xf32, #tpu.memory_space<hbm>> -> memref<100000x128xf32, #tpu.memory_space<hbm>>
      %dma_wait3A_839 = tpu.memref_slice %arg8[%dma_wait3A_829] : memref<4x!tpu.dma_semaphore, #tpu.memory_space<semaphore_mem>> -> memref<1x!tpu.dma_semaphore, #tpu.memory_space<semaphore_mem>>
      %dma_wait3A_840 = tpu.memref_squeeze %dma_wait3A_839 : memref<1x!tpu.dma_semaphore, #tpu.memory_space<semaphore_mem>> -> memref<!tpu.dma_semaphore, #tpu.memory_space<semaphore_mem>>
      tpu.wait_indirect_dma semaphore(%dma_wait3A_840 : memref<!tpu.dma_semaphore, #tpu.memory_space<semaphore_mem>>) src(%dma_wait3A_838 : memref<100000x128xf32, #tpu.memory_space<hbm>>) dst(%dma_wait3A_833 : memref<128x128xf32, #tpu.memory_space<vmem>>)
      %dma_wait3A_841 = arith.constant 1 : i32
      %dma_wait3A_842 = arith.constant 1 : i32
      %dma_wait3A_843 = tpu.memref_slice %arg10[%dma_wait3A_842] : memref<2x!tpu.dma_semaphore, #tpu.memory_space<semaphore_mem>> -> memref<1x!tpu.dma_semaphore, #tpu.memory_space<semaphore_mem>>
      %dma_wait3A_844 = tpu.memref_squeeze %dma_wait3A_843 : memref<1x!tpu.dma_semaphore, #tpu.memory_space<semaphore_mem>> -> memref<!tpu.dma_semaphore, #tpu.memory_space<semaphore_mem>>
      %dma_wait3A_845 = arith.constant 0 : i32
      %dma_wait3A_846 = tpu.memref_slice %arg4[%mul3A_2, %dma_wait3A_845] : memref<819200x128xf32, #tpu.memory_space<hbm>> -> memref<128x128xf32, #tpu.memory_space<hbm>>
      %dma_wait3A_847 = arith.constant 0 : i32
      %dma_wait3A_848 = arith.constant 0 : i32
      %dma_wait3A_849 = tpu.memref_slice %arg7[%arg1, %dma_wait3A_841, %dma_wait3A_847, %dma_wait3A_848] : memref<16x2x128x128xf32, #tpu.memory_space<vmem_shared>> -> memref<1x1x128x128xf32, #tpu.memory_space<vmem_shared>>
      %dma_wait3A_850 = tpu.memref_squeeze %dma_wait3A_849 : memref<1x1x128x128xf32, #tpu.memory_space<vmem_shared>> -> memref<128x128xf32, #tpu.memory_space<vmem_shared>>
      tpu.wait_dma2 semaphore(%dma_wait3A_844 : memref<!tpu.dma_semaphore, #tpu.memory_space<semaphore_mem>>) src(%dma_wait3A_850 : memref<128x128xf32, #tpu.memory_space<vmem_shared>>) dst(%dma_wait3A_846 : memref<128x128xf32, #tpu.memory_space<hbm>>)
      %dma_start3A_851 = arith.constant 1 : i32
      %dma_start3A_852 = arith.constant 1 : i32
      %dma_start3A_853 = arith.constant 1 : i32
      %dma_start3A_854 = arith.constant 0 : i32
      %dma_start3A_855 = arith.constant 0 : i32
      %dma_start3A_856 = tpu.memref_slice %arg6[%dma_start3A_851, %dma_start3A_854, %dma_start3A_855] : memref<4x128x128xf32, #tpu.memory_space<vmem>> -> memref<1x128x128xf32, #tpu.memory_space<vmem>>
      %dma_start3A_857 = tpu.memref_squeeze %dma_start3A_856 : memref<1x128x128xf32, #tpu.memory_space<vmem>> -> memref<128x128xf32, #tpu.memory_space<vmem>>
      %dma_start3A_858 = arith.constant 0 : i32
      %dma_start3A_859 = arith.constant 0 : i32
      %dma_start3A_860 = tpu.memref_slice %arg7[%arg1, %dma_start3A_852, %dma_start3A_858, %dma_start3A_859] : memref<16x2x128x128xf32, #tpu.memory_space<vmem_shared>> -> memref<1x1x128x128xf32, #tpu.memory_space<vmem_shared>>
      %dma_start3A_861 = tpu.memref_squeeze %dma_start3A_860 : memref<1x1x128x128xf32, #tpu.memory_space<vmem_shared>> -> memref<128x128xf32, #tpu.memory_space<vmem_shared>>
      %dma_start3A_862 = tpu.memref_slice %arg9[%dma_start3A_853] : memref<2x!tpu.dma_semaphore, #tpu.memory_space<semaphore_mem>> -> memref<1x!tpu.dma_semaphore, #tpu.memory_space<semaphore_mem>>
      %dma_start3A_863 = tpu.memref_squeeze %dma_start3A_862 : memref<1x!tpu.dma_semaphore, #tpu.memory_space<semaphore_mem>> -> memref<!tpu.dma_semaphore, #tpu.memory_space<semaphore_mem>>
      %dma_start3A_864 = arith.constant 0 : i32
      %dma_start3A_865 = arith.constant 0 : i32
      %dma_start3A_866 = tpu.memref_slice %arg7[%arg1, %dma_start3A_852, %dma_start3A_864, %dma_start3A_865] : memref<16x2x128x128xf32, #tpu.memory_space<vmem_shared>> -> memref<1x1x128x128xf32, #tpu.memory_space<vmem_shared>>
      %dma_start3A_867 = tpu.memref_squeeze %dma_start3A_866 : memref<1x1x128x128xf32, #tpu.memory_space<vmem_shared>> -> memref<128x128xf32, #tpu.memory_space<vmem_shared>>
      %dma_start3A_868 = arith.constant 0 : i32
      %dma_start3A_869 = arith.constant 0 : i32
      %dma_start3A_870 = tpu.memref_slice %arg6[%dma_start3A_851, %dma_start3A_868, %dma_start3A_869] : memref<4x128x128xf32, #tpu.memory_space<vmem>> -> memref<1x128x128xf32, #tpu.memory_space<vmem>>
      %dma_start3A_871 = tpu.memref_squeeze %dma_start3A_870 : memref<1x128x128xf32, #tpu.memory_space<vmem>> -> memref<128x128xf32, #tpu.memory_space<vmem>>
      tpu.enqueue_dma source(%dma_start3A_871 : memref<128x128xf32, #tpu.memory_space<vmem>>) target(%dma_start3A_867 : memref<128x128xf32, #tpu.memory_space<vmem_shared>>) target_semaphore(%dma_start3A_863 : memref<!tpu.dma_semaphore, #tpu.memory_space<semaphore_mem>>)
      %dma_wait3A_872 = arith.constant 0 : i32
      %dma_wait3A_873 = arith.constant 0 : i32
      %dma_wait3A_874 = arith.constant 0 : i32
      %dma_wait3A_875 = arith.constant 0 : i32
      %dma_wait3A_876 = arith.constant 0 : i32
      %dma_wait3A_877 = tpu.memref_slice %arg6[%dma_wait3A_872, %dma_wait3A_875, %dma_wait3A_876] : memref<4x128x128xf32, #tpu.memory_space<vmem>> -> memref<1x128x128xf32, #tpu.memory_space<vmem>>
      %dma_wait3A_878 = tpu.memref_squeeze %dma_wait3A_877 : memref<1x128x128xf32, #tpu.memory_space<vmem>> -> memref<128x128xf32, #tpu.memory_space<vmem>>
      %dma_wait3A_879 = arith.constant 0 : i32
      %dma_wait3A_880 = arith.constant 0 : i32
      %dma_wait3A_881 = tpu.memref_slice %arg7[%arg1, %dma_wait3A_873, %dma_wait3A_879, %dma_wait3A_880] : memref<16x2x128x128xf32, #tpu.memory_space<vmem_shared>> -> memref<1x1x128x128xf32, #tpu.memory_space<vmem_shared>>
      %dma_wait3A_882 = tpu.memref_squeeze %dma_wait3A_881 : memref<1x1x128x128xf32, #tpu.memory_space<vmem_shared>> -> memref<128x128xf32, #tpu.memory_space<vmem_shared>>
      %dma_wait3A_883 = tpu.memref_slice %arg9[%dma_wait3A_874] : memref<2x!tpu.dma_semaphore, #tpu.memory_space<semaphore_mem>> -> memref<1x!tpu.dma_semaphore, #tpu.memory_space<semaphore_mem>>
      %dma_wait3A_884 = tpu.memref_squeeze %dma_wait3A_883 : memref<1x!tpu.dma_semaphore, #tpu.memory_space<semaphore_mem>> -> memref<!tpu.dma_semaphore, #tpu.memory_space<semaphore_mem>>
      %dma_wait3A_885 = arith.constant 0 : i32
      %dma_wait3A_886 = arith.constant 0 : i32
      %dma_wait3A_887 = tpu.memref_slice %arg7[%arg1, %dma_wait3A_873, %dma_wait3A_885, %dma_wait3A_886] : memref<16x2x128x128xf32, #tpu.memory_space<vmem_shared>> -> memref<1x1x128x128xf32, #tpu.memory_space<vmem_shared>>
      %dma_wait3A_888 = tpu.memref_squeeze %dma_wait3A_887 : memref<1x1x128x128xf32, #tpu.memory_space<vmem_shared>> -> memref<128x128xf32, #tpu.memory_space<vmem_shared>>
      %dma_wait3A_889 = arith.constant 0 : i32
      %dma_wait3A_890 = arith.constant 0 : i32
      %dma_wait3A_891 = tpu.memref_slice %arg6[%dma_wait3A_872, %dma_wait3A_889, %dma_wait3A_890] : memref<4x128x128xf32, #tpu.memory_space<vmem>> -> memref<1x128x128xf32, #tpu.memory_space<vmem>>
      %dma_wait3A_892 = tpu.memref_squeeze %dma_wait3A_891 : memref<1x128x128xf32, #tpu.memory_space<vmem>> -> memref<128x128xf32, #tpu.memory_space<vmem>>
      tpu.wait_dma2 semaphore(%dma_wait3A_884 : memref<!tpu.dma_semaphore, #tpu.memory_space<semaphore_mem>>) src(%dma_wait3A_892 : memref<128x128xf32, #tpu.memory_space<vmem>>) dst(%dma_wait3A_888 : memref<128x128xf32, #tpu.memory_space<vmem_shared>>)
      %sub3A_893 = arith.constant 1 : i32
      %sub3A_894 = arith.subi %add3A_827, %sub3A_893 : i32
      %mul3A_895 = arith.constant 128 : i32
      %mul3A_896 = arith.muli %sub3A_894, %mul3A_895 : i32
      %add3A_897 = arith.addi %mul3A_2, %mul3A_896 : i32
      %dma_start3A_898 = arith.constant 0 : i32
      %dma_start3A_899 = arith.constant 0 : i32
      %dma_start3A_900 = tpu.memref_slice %arg10[%dma_start3A_899] : memref<2x!tpu.dma_semaphore, #tpu.memory_space<semaphore_mem>> -> memref<1x!tpu.dma_semaphore, #tpu.memory_space<semaphore_mem>>
      %dma_start3A_901 = tpu.memref_squeeze %dma_start3A_900 : memref<1x!tpu.dma_semaphore, #tpu.memory_space<semaphore_mem>> -> memref<!tpu.dma_semaphore, #tpu.memory_space<semaphore_mem>>
      %dma_start3A_902 = arith.constant 0 : i32
      %dma_start3A_903 = tpu.memref_slice %arg4[%add3A_897, %dma_start3A_902] : memref<819200x128xf32, #tpu.memory_space<hbm>> -> memref<128x128xf32, #tpu.memory_space<hbm>>
      %dma_start3A_904 = arith.constant 0 : i32
      %dma_start3A_905 = arith.constant 0 : i32
      %dma_start3A_906 = tpu.memref_slice %arg7[%arg1, %dma_start3A_898, %dma_start3A_904, %dma_start3A_905] : memref<16x2x128x128xf32, #tpu.memory_space<vmem_shared>> -> memref<1x1x128x128xf32, #tpu.memory_space<vmem_shared>>
      %dma_start3A_907 = tpu.memref_squeeze %dma_start3A_906 : memref<1x1x128x128xf32, #tpu.memory_space<vmem_shared>> -> memref<128x128xf32, #tpu.memory_space<vmem_shared>>
      tpu.enqueue_dma source(%dma_start3A_907 : memref<128x128xf32, #tpu.memory_space<vmem_shared>>) target(%dma_start3A_903 : memref<128x128xf32, #tpu.memory_space<hbm>>) target_semaphore(%dma_start3A_901 : memref<!tpu.dma_semaphore, #tpu.memory_space<semaphore_mem>>)
      %add3A_908 = arith.constant 2 : i32
      %add3A_909 = arith.addi %add3A_827, %add3A_908 : i32
      %mul3A_910 = arith.constant 128 : i32
      %mul3A_911 = arith.muli %add3A_909, %mul3A_910 : i32
      %dma_start3A_912 = arith.constant 3 : i32
      %dma_start3A_913 = arith.constant 3 : i32
      %dma_start3A_914 = arith.constant 0 : i32
      %dma_start3A_915 = arith.constant 0 : i32
      %dma_start3A_916 = tpu.memref_slice %arg6[%dma_start3A_912, %dma_start3A_914, %dma_start3A_915] : memref<4x128x128xf32, #tpu.memory_space<vmem>> -> memref<1x128x128xf32, #tpu.memory_space<vmem>>
      %dma_start3A_917 = tpu.memref_squeeze %dma_start3A_916 : memref<1x128x128xf32, #tpu.memory_space<vmem>> -> memref<128x128xf32, #tpu.memory_space<vmem>>
      %dma_start3A_918 = tpu.memref_slice %arg5[%mul3A_911] : memref<25600xi32, #tpu.memory_space<vmem>> -> memref<128xi32, #tpu.memory_space<vmem>>
      %dma_start3A_919 = arith.constant 0 : i32
      %dma_start3A_920 = arith.constant 0 : i32
      %dma_start3A_921 = tpu.memref_slice %arg2[%dma_start3A_919, %dma_start3A_920] : memref<100000x128xf32, #tpu.memory_space<hbm>> -> memref<100000x128xf32, #tpu.memory_space<hbm>>
      %dma_start3A_922 = tpu.memref_slice %arg8[%dma_start3A_913] : memref<4x!tpu.dma_semaphore, #tpu.memory_space<semaphore_mem>> -> memref<1x!tpu.dma_semaphore, #tpu.memory_space<semaphore_mem>>
      %dma_start3A_923 = tpu.memref_squeeze %dma_start3A_922 : memref<1x!tpu.dma_semaphore, #tpu.memory_space<semaphore_mem>> -> memref<!tpu.dma_semaphore, #tpu.memory_space<semaphore_mem>>
      tpu.enqueue_indirect_dma source(%dma_start3A_921 : memref<100000x128xf32, #tpu.memory_space<hbm>>) target(%dma_start3A_917 : memref<128x128xf32, #tpu.memory_space<vmem>>) offsets(%dma_start3A_918 : memref<128xi32, #tpu.memory_space<vmem>>) semaphore(%dma_start3A_923 : memref<!tpu.dma_semaphore, #tpu.memory_space<semaphore_mem>>)
      %add3A_924 = arith.constant 2 : i32
      %add3A_925 = arith.addi %mul3A_728, %add3A_924 : i32
      %dma_wait3A_926 = arith.constant 2 : i32
      %dma_wait3A_927 = arith.constant 2 : i32
      %dma_wait3A_928 = arith.constant 0 : i32
      %dma_wait3A_929 = arith.constant 0 : i32
      %dma_wait3A_930 = tpu.memref_slice %arg6[%dma_wait3A_926, %dma_wait3A_928, %dma_wait3A_929] : memref<4x128x128xf32, #tpu.memory_space<vmem>> -> memref<1x128x128xf32, #tpu.memory_space<vmem>>
      %dma_wait3A_931 = tpu.memref_squeeze %dma_wait3A_930 : memref<1x128x128xf32, #tpu.memory_space<vmem>> -> memref<128x128xf32, #tpu.memory_space<vmem>>
      %dma_wait3A_932 = arith.constant 0 : i32
      %dma_wait3A_933 = tpu.memref_slice %arg5[%dma_wait3A_932] : memref<25600xi32, #tpu.memory_space<vmem>> -> memref<128xi32, #tpu.memory_space<vmem>>
      %dma_wait3A_934 = arith.constant 0 : i32
      %dma_wait3A_935 = arith.constant 0 : i32
      %dma_wait3A_936 = tpu.memref_slice %arg2[%dma_wait3A_934, %dma_wait3A_935] : memref<100000x128xf32, #tpu.memory_space<hbm>> -> memref<100000x128xf32, #tpu.memory_space<hbm>>
      %dma_wait3A_937 = tpu.memref_slice %arg8[%dma_wait3A_927] : memref<4x!tpu.dma_semaphore, #tpu.memory_space<semaphore_mem>> -> memref<1x!tpu.dma_semaphore, #tpu.memory_space<semaphore_mem>>
      %dma_wait3A_938 = tpu.memref_squeeze %dma_wait3A_937 : memref<1x!tpu.dma_semaphore, #tpu.memory_space<semaphore_mem>> -> memref<!tpu.dma_semaphore, #tpu.memory_space<semaphore_mem>>
      tpu.wait_indirect_dma semaphore(%dma_wait3A_938 : memref<!tpu.dma_semaphore, #tpu.memory_space<semaphore_mem>>) src(%dma_wait3A_936 : memref<100000x128xf32, #tpu.memory_space<hbm>>) dst(%dma_wait3A_931 : memref<128x128xf32, #tpu.memory_space<vmem>>)
      %dma_wait3A_939 = arith.constant 0 : i32
      %dma_wait3A_940 = arith.constant 0 : i32
      %dma_wait3A_941 = tpu.memref_slice %arg10[%dma_wait3A_940] : memref<2x!tpu.dma_semaphore, #tpu.memory_space<semaphore_mem>> -> memref<1x!tpu.dma_semaphore, #tpu.memory_space<semaphore_mem>>
      %dma_wait3A_942 = tpu.memref_squeeze %dma_wait3A_941 : memref<1x!tpu.dma_semaphore, #tpu.memory_space<semaphore_mem>> -> memref<!tpu.dma_semaphore, #tpu.memory_space<semaphore_mem>>
      %dma_wait3A_943 = arith.constant 0 : i32
      %dma_wait3A_944 = tpu.memref_slice %arg4[%mul3A_2, %dma_wait3A_943] : memref<819200x128xf32, #tpu.memory_space<hbm>> -> memref<128x128xf32, #tpu.memory_space<hbm>>
      %dma_wait3A_945 = arith.constant 0 : i32
      %dma_wait3A_946 = arith.constant 0 : i32
      %dma_wait3A_947 = tpu.memref_slice %arg7[%arg1, %dma_wait3A_939, %dma_wait3A_945, %dma_wait3A_946] : memref<16x2x128x128xf32, #tpu.memory_space<vmem_shared>> -> memref<1x1x128x128xf32, #tpu.memory_space<vmem_shared>>
      %dma_wait3A_948 = tpu.memref_squeeze %dma_wait3A_947 : memref<1x1x128x128xf32, #tpu.memory_space<vmem_shared>> -> memref<128x128xf32, #tpu.memory_space<vmem_shared>>
      tpu.wait_dma2 semaphore(%dma_wait3A_942 : memref<!tpu.dma_semaphore, #tpu.memory_space<semaphore_mem>>) src(%dma_wait3A_948 : memref<128x128xf32, #tpu.memory_space<vmem_shared>>) dst(%dma_wait3A_944 : memref<128x128xf32, #tpu.memory_space<hbm>>)
      %dma_start3A_949 = arith.constant 2 : i32
      %dma_start3A_950 = arith.constant 0 : i32
      %dma_start3A_951 = arith.constant 0 : i32
      %dma_start3A_952 = arith.constant 0 : i32
      %dma_start3A_953 = arith.constant 0 : i32
      %dma_start3A_954 = tpu.memref_slice %arg6[%dma_start3A_949, %dma_start3A_952, %dma_start3A_953] : memref<4x128x128xf32, #tpu.memory_space<vmem>> -> memref<1x128x128xf32, #tpu.memory_space<vmem>>
      %dma_start3A_955 = tpu.memref_squeeze %dma_start3A_954 : memref<1x128x128xf32, #tpu.memory_space<vmem>> -> memref<128x128xf32, #tpu.memory_space<vmem>>
      %dma_start3A_956 = arith.constant 0 : i32
      %dma_start3A_957 = arith.constant 0 : i32
      %dma_start3A_958 = tpu.memref_slice %arg7[%arg1, %dma_start3A_950, %dma_start3A_956, %dma_start3A_957] : memref<16x2x128x128xf32, #tpu.memory_space<vmem_shared>> -> memref<1x1x128x128xf32, #tpu.memory_space<vmem_shared>>
      %dma_start3A_959 = tpu.memref_squeeze %dma_start3A_958 : memref<1x1x128x128xf32, #tpu.memory_space<vmem_shared>> -> memref<128x128xf32, #tpu.memory_space<vmem_shared>>
      %dma_start3A_960 = tpu.memref_slice %arg9[%dma_start3A_951] : memref<2x!tpu.dma_semaphore, #tpu.memory_space<semaphore_mem>> -> memref<1x!tpu.dma_semaphore, #tpu.memory_space<semaphore_mem>>
      %dma_start3A_961 = tpu.memref_squeeze %dma_start3A_960 : memref<1x!tpu.dma_semaphore, #tpu.memory_space<semaphore_mem>> -> memref<!tpu.dma_semaphore, #tpu.memory_space<semaphore_mem>>
      %dma_start3A_962 = arith.constant 0 : i32
      %dma_start3A_963 = arith.constant 0 : i32
      %dma_start3A_964 = tpu.memref_slice %arg7[%arg1, %dma_start3A_950, %dma_start3A_962, %dma_start3A_963] : memref<16x2x128x128xf32, #tpu.memory_space<vmem_shared>> -> memref<1x1x128x128xf32, #tpu.memory_space<vmem_shared>>
      %dma_start3A_965 = tpu.memref_squeeze %dma_start3A_964 : memref<1x1x128x128xf32, #tpu.memory_space<vmem_shared>> -> memref<128x128xf32, #tpu.memory_space<vmem_shared>>
      %dma_start3A_966 = arith.constant 0 : i32
      %dma_start3A_967 = arith.constant 0 : i32
      %dma_start3A_968 = tpu.memref_slice %arg6[%dma_start3A_949, %dma_start3A_966, %dma_start3A_967] : memref<4x128x128xf32, #tpu.memory_space<vmem>> -> memref<1x128x128xf32, #tpu.memory_space<vmem>>
      %dma_start3A_969 = tpu.memref_squeeze %dma_start3A_968 : memref<1x128x128xf32, #tpu.memory_space<vmem>> -> memref<128x128xf32, #tpu.memory_space<vmem>>
      tpu.enqueue_dma source(%dma_start3A_969 : memref<128x128xf32, #tpu.memory_space<vmem>>) target(%dma_start3A_965 : memref<128x128xf32, #tpu.memory_space<vmem_shared>>) target_semaphore(%dma_start3A_961 : memref<!tpu.dma_semaphore, #tpu.memory_space<semaphore_mem>>)
      %dma_wait3A_970 = arith.constant 0 : i32
      %dma_wait3A_971 = arith.constant 1 : i32
      %dma_wait3A_972 = arith.constant 1 : i32
      %dma_wait3A_973 = arith.constant 0 : i32
      %dma_wait3A_974 = arith.constant 0 : i32
      %dma_wait3A_975 = tpu.memref_slice %arg6[%dma_wait3A_970, %dma_wait3A_973, %dma_wait3A_974] : memref<4x128x128xf32, #tpu.memory_space<vmem>> -> memref<1x128x128xf32, #tpu.memory_space<vmem>>
      %dma_wait3A_976 = tpu.memref_squeeze %dma_wait3A_975 : memref<1x128x128xf32, #tpu.memory_space<vmem>> -> memref<128x128xf32, #tpu.memory_space<vmem>>
      %dma_wait3A_977 = arith.constant 0 : i32
      %dma_wait3A_978 = arith.constant 0 : i32
      %dma_wait3A_979 = tpu.memref_slice %arg7[%arg1, %dma_wait3A_971, %dma_wait3A_977, %dma_wait3A_978] : memref<16x2x128x128xf32, #tpu.memory_space<vmem_shared>> -> memref<1x1x128x128xf32, #tpu.memory_space<vmem_shared>>
      %dma_wait3A_980 = tpu.memref_squeeze %dma_wait3A_979 : memref<1x1x128x128xf32, #tpu.memory_space<vmem_shared>> -> memref<128x128xf32, #tpu.memory_space<vmem_shared>>
      %dma_wait3A_981 = tpu.memref_slice %arg9[%dma_wait3A_972] : memref<2x!tpu.dma_semaphore, #tpu.memory_space<semaphore_mem>> -> memref<1x!tpu.dma_semaphore, #tpu.memory_space<semaphore_mem>>
      %dma_wait3A_982 = tpu.memref_squeeze %dma_wait3A_981 : memref<1x!tpu.dma_semaphore, #tpu.memory_space<semaphore_mem>> -> memref<!tpu.dma_semaphore, #tpu.memory_space<semaphore_mem>>
      %dma_wait3A_983 = arith.constant 0 : i32
      %dma_wait3A_984 = arith.constant 0 : i32
      %dma_wait3A_985 = tpu.memref_slice %arg7[%arg1, %dma_wait3A_971, %dma_wait3A_983, %dma_wait3A_984] : memref<16x2x128x128xf32, #tpu.memory_space<vmem_shared>> -> memref<1x1x128x128xf32, #tpu.memory_space<vmem_shared>>
      %dma_wait3A_986 = tpu.memref_squeeze %dma_wait3A_985 : memref<1x1x128x128xf32, #tpu.memory_space<vmem_shared>> -> memref<128x128xf32, #tpu.memory_space<vmem_shared>>
      %dma_wait3A_987 = arith.constant 0 : i32
      %dma_wait3A_988 = arith.constant 0 : i32
      %dma_wait3A_989 = tpu.memref_slice %arg6[%dma_wait3A_970, %dma_wait3A_987, %dma_wait3A_988] : memref<4x128x128xf32, #tpu.memory_space<vmem>> -> memref<1x128x128xf32, #tpu.memory_space<vmem>>
      %dma_wait3A_990 = tpu.memref_squeeze %dma_wait3A_989 : memref<1x128x128xf32, #tpu.memory_space<vmem>> -> memref<128x128xf32, #tpu.memory_space<vmem>>
      tpu.wait_dma2 semaphore(%dma_wait3A_982 : memref<!tpu.dma_semaphore, #tpu.memory_space<semaphore_mem>>) src(%dma_wait3A_990 : memref<128x128xf32, #tpu.memory_space<vmem>>) dst(%dma_wait3A_986 : memref<128x128xf32, #tpu.memory_space<vmem_shared>>)
      %sub3A_991 = arith.constant 1 : i32
      %sub3A_992 = arith.subi %add3A_925, %sub3A_991 : i32
      %mul3A_993 = arith.constant 128 : i32
      %mul3A_994 = arith.muli %sub3A_992, %mul3A_993 : i32
      %add3A_995 = arith.addi %mul3A_2, %mul3A_994 : i32
      %dma_start3A_996 = arith.constant 1 : i32
      %dma_start3A_997 = arith.constant 1 : i32
      %dma_start3A_998 = tpu.memref_slice %arg10[%dma_start3A_997] : memref<2x!tpu.dma_semaphore, #tpu.memory_space<semaphore_mem>> -> memref<1x!tpu.dma_semaphore, #tpu.memory_space<semaphore_mem>>
      %dma_start3A_999 = tpu.memref_squeeze %dma_start3A_998 : memref<1x!tpu.dma_semaphore, #tpu.memory_space<semaphore_mem>> -> memref<!tpu.dma_semaphore, #tpu.memory_space<semaphore_mem>>
      %dma_start3A_1000 = arith.constant 0 : i32
      %dma_start3A_1001 = tpu.memref_slice %arg4[%add3A_995, %dma_start3A_1000] : memref<819200x128xf32, #tpu.memory_space<hbm>> -> memref<128x128xf32, #tpu.memory_space<hbm>>
      %dma_start3A_1002 = arith.constant 0 : i32
      %dma_start3A_1003 = arith.constant 0 : i32
      %dma_start3A_1004 = tpu.memref_slice %arg7[%arg1, %dma_start3A_996, %dma_start3A_1002, %dma_start3A_1003] : memref<16x2x128x128xf32, #tpu.memory_space<vmem_shared>> -> memref<1x1x128x128xf32, #tpu.memory_space<vmem_shared>>
      %dma_start3A_1005 = tpu.memref_squeeze %dma_start3A_1004 : memref<1x1x128x128xf32, #tpu.memory_space<vmem_shared>> -> memref<128x128xf32, #tpu.memory_space<vmem_shared>>
      tpu.enqueue_dma source(%dma_start3A_1005 : memref<128x128xf32, #tpu.memory_space<vmem_shared>>) target(%dma_start3A_1001 : memref<128x128xf32, #tpu.memory_space<hbm>>) target_semaphore(%dma_start3A_999 : memref<!tpu.dma_semaphore, #tpu.memory_space<semaphore_mem>>)
      %add3A_1006 = arith.constant 2 : i32
      %add3A_1007 = arith.addi %add3A_925, %add3A_1006 : i32
      %mul3A_1008 = arith.constant 128 : i32
      %mul3A_1009 = arith.muli %add3A_1007, %mul3A_1008 : i32
      %dma_start3A_1010 = arith.constant 0 : i32
      %dma_start3A_1011 = arith.constant 0 : i32
      %dma_start3A_1012 = arith.constant 0 : i32
      %dma_start3A_1013 = arith.constant 0 : i32
      %dma_start3A_1014 = tpu.memref_slice %arg6[%dma_start3A_1010, %dma_start3A_1012, %dma_start3A_1013] : memref<4x128x128xf32, #tpu.memory_space<vmem>> -> memref<1x128x128xf32, #tpu.memory_space<vmem>>
      %dma_start3A_1015 = tpu.memref_squeeze %dma_start3A_1014 : memref<1x128x128xf32, #tpu.memory_space<vmem>> -> memref<128x128xf32, #tpu.memory_space<vmem>>
      %dma_start3A_1016 = tpu.memref_slice %arg5[%mul3A_1009] : memref<25600xi32, #tpu.memory_space<vmem>> -> memref<128xi32, #tpu.memory_space<vmem>>
      %dma_start3A_1017 = arith.constant 0 : i32
      %dma_start3A_1018 = arith.constant 0 : i32
      %dma_start3A_1019 = tpu.memref_slice %arg2[%dma_start3A_1017, %dma_start3A_1018] : memref<100000x128xf32, #tpu.memory_space<hbm>> -> memref<100000x128xf32, #tpu.memory_space<hbm>>
      %dma_start3A_1020 = tpu.memref_slice %arg8[%dma_start3A_1011] : memref<4x!tpu.dma_semaphore, #tpu.memory_space<semaphore_mem>> -> memref<1x!tpu.dma_semaphore, #tpu.memory_space<semaphore_mem>>
      %dma_start3A_1021 = tpu.memref_squeeze %dma_start3A_1020 : memref<1x!tpu.dma_semaphore, #tpu.memory_space<semaphore_mem>> -> memref<!tpu.dma_semaphore, #tpu.memory_space<semaphore_mem>>
      tpu.enqueue_indirect_dma source(%dma_start3A_1019 : memref<100000x128xf32, #tpu.memory_space<hbm>>) target(%dma_start3A_1015 : memref<128x128xf32, #tpu.memory_space<vmem>>) offsets(%dma_start3A_1016 : memref<128xi32, #tpu.memory_space<vmem>>) semaphore(%dma_start3A_1021 : memref<!tpu.dma_semaphore, #tpu.memory_space<semaphore_mem>>)
      %add3A_1022 = arith.constant 3 : i32
      %add3A_1023 = arith.addi %mul3A_728, %add3A_1022 : i32
      %dma_wait3A_1024 = arith.constant 3 : i32
      %dma_wait3A_1025 = arith.constant 3 : i32
      %dma_wait3A_1026 = arith.constant 0 : i32
      %dma_wait3A_1027 = arith.constant 0 : i32
      %dma_wait3A_1028 = tpu.memref_slice %arg6[%dma_wait3A_1024, %dma_wait3A_1026, %dma_wait3A_1027] : memref<4x128x128xf32, #tpu.memory_space<vmem>> -> memref<1x128x128xf32, #tpu.memory_space<vmem>>
      %dma_wait3A_1029 = tpu.memref_squeeze %dma_wait3A_1028 : memref<1x128x128xf32, #tpu.memory_space<vmem>> -> memref<128x128xf32, #tpu.memory_space<vmem>>
      %dma_wait3A_1030 = arith.constant 0 : i32
      %dma_wait3A_1031 = tpu.memref_slice %arg5[%dma_wait3A_1030] : memref<25600xi32, #tpu.memory_space<vmem>> -> memref<128xi32, #tpu.memory_space<vmem>>
      %dma_wait3A_1032 = arith.constant 0 : i32
      %dma_wait3A_1033 = arith.constant 0 : i32
      %dma_wait3A_1034 = tpu.memref_slice %arg2[%dma_wait3A_1032, %dma_wait3A_1033] : memref<100000x128xf32, #tpu.memory_space<hbm>> -> memref<100000x128xf32, #tpu.memory_space<hbm>>
      %dma_wait3A_1035 = tpu.memref_slice %arg8[%dma_wait3A_1025] : memref<4x!tpu.dma_semaphore, #tpu.memory_space<semaphore_mem>> -> memref<1x!tpu.dma_semaphore, #tpu.memory_space<semaphore_mem>>
      %dma_wait3A_1036 = tpu.memref_squeeze %dma_wait3A_1035 : memref<1x!tpu.dma_semaphore, #tpu.memory_space<semaphore_mem>> -> memref<!tpu.dma_semaphore, #tpu.memory_space<semaphore_mem>>
      tpu.wait_indirect_dma semaphore(%dma_wait3A_1036 : memref<!tpu.dma_semaphore, #tpu.memory_space<semaphore_mem>>) src(%dma_wait3A_1034 : memref<100000x128xf32, #tpu.memory_space<hbm>>) dst(%dma_wait3A_1029 : memref<128x128xf32, #tpu.memory_space<vmem>>)
      %dma_wait3A_1037 = arith.constant 1 : i32
      %dma_wait3A_1038 = arith.constant 1 : i32
      %dma_wait3A_1039 = tpu.memref_slice %arg10[%dma_wait3A_1038] : memref<2x!tpu.dma_semaphore, #tpu.memory_space<semaphore_mem>> -> memref<1x!tpu.dma_semaphore, #tpu.memory_space<semaphore_mem>>
      %dma_wait3A_1040 = tpu.memref_squeeze %dma_wait3A_1039 : memref<1x!tpu.dma_semaphore, #tpu.memory_space<semaphore_mem>> -> memref<!tpu.dma_semaphore, #tpu.memory_space<semaphore_mem>>
      %dma_wait3A_1041 = arith.constant 0 : i32
      %dma_wait3A_1042 = tpu.memref_slice %arg4[%mul3A_2, %dma_wait3A_1041] : memref<819200x128xf32, #tpu.memory_space<hbm>> -> memref<128x128xf32, #tpu.memory_space<hbm>>
      %dma_wait3A_1043 = arith.constant 0 : i32
      %dma_wait3A_1044 = arith.constant 0 : i32
      %dma_wait3A_1045 = tpu.memref_slice %arg7[%arg1, %dma_wait3A_1037, %dma_wait3A_1043, %dma_wait3A_1044] : memref<16x2x128x128xf32, #tpu.memory_space<vmem_shared>> -> memref<1x1x128x128xf32, #tpu.memory_space<vmem_shared>>
      %dma_wait3A_1046 = tpu.memref_squeeze %dma_wait3A_1045 : memref<1x1x128x128xf32, #tpu.memory_space<vmem_shared>> -> memref<128x128xf32, #tpu.memory_space<vmem_shared>>
      tpu.wait_dma2 semaphore(%dma_wait3A_1040 : memref<!tpu.dma_semaphore, #tpu.memory_space<semaphore_mem>>) src(%dma_wait3A_1046 : memref<128x128xf32, #tpu.memory_space<vmem_shared>>) dst(%dma_wait3A_1042 : memref<128x128xf32, #tpu.memory_space<hbm>>)
      %dma_start3A_1047 = arith.constant 3 : i32
      %dma_start3A_1048 = arith.constant 1 : i32
      %dma_start3A_1049 = arith.constant 1 : i32
      %dma_start3A_1050 = arith.constant 0 : i32
      %dma_start3A_1051 = arith.constant 0 : i32
      %dma_start3A_1052 = tpu.memref_slice %arg6[%dma_start3A_1047, %dma_start3A_1050, %dma_start3A_1051] : memref<4x128x128xf32, #tpu.memory_space<vmem>> -> memref<1x128x128xf32, #tpu.memory_space<vmem>>
      %dma_start3A_1053 = tpu.memref_squeeze %dma_start3A_1052 : memref<1x128x128xf32, #tpu.memory_space<vmem>> -> memref<128x128xf32, #tpu.memory_space<vmem>>
      %dma_start3A_1054 = arith.constant 0 : i32
      %dma_start3A_1055 = arith.constant 0 : i32
      %dma_start3A_1056 = tpu.memref_slice %arg7[%arg1, %dma_start3A_1048, %dma_start3A_1054, %dma_start3A_1055] : memref<16x2x128x128xf32, #tpu.memory_space<vmem_shared>> -> memref<1x1x128x128xf32, #tpu.memory_space<vmem_shared>>
      %dma_start3A_1057 = tpu.memref_squeeze %dma_start3A_1056 : memref<1x1x128x128xf32, #tpu.memory_space<vmem_shared>> -> memref<128x128xf32, #tpu.memory_space<vmem_shared>>
      %dma_start3A_1058 = tpu.memref_slice %arg9[%dma_start3A_1049] : memref<2x!tpu.dma_semaphore, #tpu.memory_space<semaphore_mem>> -> memref<1x!tpu.dma_semaphore, #tpu.memory_space<semaphore_mem>>
      %dma_start3A_1059 = tpu.memref_squeeze %dma_start3A_1058 : memref<1x!tpu.dma_semaphore, #tpu.memory_space<semaphore_mem>> -> memref<!tpu.dma_semaphore, #tpu.memory_space<semaphore_mem>>
      %dma_start3A_1060 = arith.constant 0 : i32
      %dma_start3A_1061 = arith.constant 0 : i32
      %dma_start3A_1062 = tpu.memref_slice %arg7[%arg1, %dma_start3A_1048, %dma_start3A_1060, %dma_start3A_1061] : memref<16x2x128x128xf32, #tpu.memory_space<vmem_shared>> -> memref<1x1x128x128xf32, #tpu.memory_space<vmem_shared>>
      %dma_start3A_1063 = tpu.memref_squeeze %dma_start3A_1062 : memref<1x1x128x128xf32, #tpu.memory_space<vmem_shared>> -> memref<128x128xf32, #tpu.memory_space<vmem_shared>>
      %dma_start3A_1064 = arith.constant 0 : i32
      %dma_start3A_1065 = arith.constant 0 : i32
      %dma_start3A_1066 = tpu.memref_slice %arg6[%dma_start3A_1047, %dma_start3A_1064, %dma_start3A_1065] : memref<4x128x128xf32, #tpu.memory_space<vmem>> -> memref<1x128x128xf32, #tpu.memory_space<vmem>>
      %dma_start3A_1067 = tpu.memref_squeeze %dma_start3A_1066 : memref<1x128x128xf32, #tpu.memory_space<vmem>> -> memref<128x128xf32, #tpu.memory_space<vmem>>
      tpu.enqueue_dma source(%dma_start3A_1067 : memref<128x128xf32, #tpu.memory_space<vmem>>) target(%dma_start3A_1063 : memref<128x128xf32, #tpu.memory_space<vmem_shared>>) target_semaphore(%dma_start3A_1059 : memref<!tpu.dma_semaphore, #tpu.memory_space<semaphore_mem>>)
      %dma_wait3A_1068 = arith.constant 0 : i32
      %dma_wait3A_1069 = arith.constant 0 : i32
      %dma_wait3A_1070 = arith.constant 0 : i32
      %dma_wait3A_1071 = arith.constant 0 : i32
      %dma_wait3A_1072 = arith.constant 0 : i32
      %dma_wait3A_1073 = tpu.memref_slice %arg6[%dma_wait3A_1068, %dma_wait3A_1071, %dma_wait3A_1072] : memref<4x128x128xf32, #tpu.memory_space<vmem>> -> memref<1x128x128xf32, #tpu.memory_space<vmem>>
      %dma_wait3A_1074 = tpu.memref_squeeze %dma_wait3A_1073 : memref<1x128x128xf32, #tpu.memory_space<vmem>> -> memref<128x128xf32, #tpu.memory_space<vmem>>
      %dma_wait3A_1075 = arith.constant 0 : i32
      %dma_wait3A_1076 = arith.constant 0 : i32
      %dma_wait3A_1077 = tpu.memref_slice %arg7[%arg1, %dma_wait3A_1069, %dma_wait3A_1075, %dma_wait3A_1076] : memref<16x2x128x128xf32, #tpu.memory_space<vmem_shared>> -> memref<1x1x128x128xf32, #tpu.memory_space<vmem_shared>>
      %dma_wait3A_1078 = tpu.memref_squeeze %dma_wait3A_1077 : memref<1x1x128x128xf32, #tpu.memory_space<vmem_shared>> -> memref<128x128xf32, #tpu.memory_space<vmem_shared>>
      %dma_wait3A_1079 = tpu.memref_slice %arg9[%dma_wait3A_1070] : memref<2x!tpu.dma_semaphore, #tpu.memory_space<semaphore_mem>> -> memref<1x!tpu.dma_semaphore, #tpu.memory_space<semaphore_mem>>
      %dma_wait3A_1080 = tpu.memref_squeeze %dma_wait3A_1079 : memref<1x!tpu.dma_semaphore, #tpu.memory_space<semaphore_mem>> -> memref<!tpu.dma_semaphore, #tpu.memory_space<semaphore_mem>>
      %dma_wait3A_1081 = arith.constant 0 : i32
      %dma_wait3A_1082 = arith.constant 0 : i32
      %dma_wait3A_1083 = tpu.memref_slice %arg7[%arg1, %dma_wait3A_1069, %dma_wait3A_1081, %dma_wait3A_1082] : memref<16x2x128x128xf32, #tpu.memory_space<vmem_shared>> -> memref<1x1x128x128xf32, #tpu.memory_space<vmem_shared>>
      %dma_wait3A_1084 = tpu.memref_squeeze %dma_wait3A_1083 : memref<1x1x128x128xf32, #tpu.memory_space<vmem_shared>> -> memref<128x128xf32, #tpu.memory_space<vmem_shared>>
      %dma_wait3A_1085 = arith.constant 0 : i32
      %dma_wait3A_1086 = arith.constant 0 : i32
      %dma_wait3A_1087 = tpu.memref_slice %arg6[%dma_wait3A_1068, %dma_wait3A_1085, %dma_wait3A_1086] : memref<4x128x128xf32, #tpu.memory_space<vmem>> -> memref<1x128x128xf32, #tpu.memory_space<vmem>>
      %dma_wait3A_1088 = tpu.memref_squeeze %dma_wait3A_1087 : memref<1x128x128xf32, #tpu.memory_space<vmem>> -> memref<128x128xf32, #tpu.memory_space<vmem>>
      tpu.wait_dma2 semaphore(%dma_wait3A_1080 : memref<!tpu.dma_semaphore, #tpu.memory_space<semaphore_mem>>) src(%dma_wait3A_1088 : memref<128x128xf32, #tpu.memory_space<vmem>>) dst(%dma_wait3A_1084 : memref<128x128xf32, #tpu.memory_space<vmem_shared>>)
      %sub3A_1089 = arith.constant 1 : i32
      %sub3A_1090 = arith.subi %add3A_1023, %sub3A_1089 : i32
      %mul3A_1091 = arith.constant 128 : i32
      %mul3A_1092 = arith.muli %sub3A_1090, %mul3A_1091 : i32
      %add3A_1093 = arith.addi %mul3A_2, %mul3A_1092 : i32
      %dma_start3A_1094 = arith.constant 0 : i32
      %dma_start3A_1095 = arith.constant 0 : i32
      %dma_start3A_1096 = tpu.memref_slice %arg10[%dma_start3A_1095] : memref<2x!tpu.dma_semaphore, #tpu.memory_space<semaphore_mem>> -> memref<1x!tpu.dma_semaphore, #tpu.memory_space<semaphore_mem>>
      %dma_start3A_1097 = tpu.memref_squeeze %dma_start3A_1096 : memref<1x!tpu.dma_semaphore, #tpu.memory_space<semaphore_mem>> -> memref<!tpu.dma_semaphore, #tpu.memory_space<semaphore_mem>>
      %dma_start3A_1098 = arith.constant 0 : i32
      %dma_start3A_1099 = tpu.memref_slice %arg4[%add3A_1093, %dma_start3A_1098] : memref<819200x128xf32, #tpu.memory_space<hbm>> -> memref<128x128xf32, #tpu.memory_space<hbm>>
      %dma_start3A_1100 = arith.constant 0 : i32
      %dma_start3A_1101 = arith.constant 0 : i32
      %dma_start3A_1102 = tpu.memref_slice %arg7[%arg1, %dma_start3A_1094, %dma_start3A_1100, %dma_start3A_1101] : memref<16x2x128x128xf32, #tpu.memory_space<vmem_shared>> -> memref<1x1x128x128xf32, #tpu.memory_space<vmem_shared>>
      %dma_start3A_1103 = tpu.memref_squeeze %dma_start3A_1102 : memref<1x1x128x128xf32, #tpu.memory_space<vmem_shared>> -> memref<128x128xf32, #tpu.memory_space<vmem_shared>>
      tpu.enqueue_dma source(%dma_start3A_1103 : memref<128x128xf32, #tpu.memory_space<vmem_shared>>) target(%dma_start3A_1099 : memref<128x128xf32, #tpu.memory_space<hbm>>) target_semaphore(%dma_start3A_1097 : memref<!tpu.dma_semaphore, #tpu.memory_space<semaphore_mem>>)
      %add3A_1104 = arith.constant 2 : i32
      %add3A_1105 = arith.addi %add3A_1023, %add3A_1104 : i32
      %mul3A_1106 = arith.constant 128 : i32
      %mul3A_1107 = arith.muli %add3A_1105, %mul3A_1106 : i32
      %dma_start3A_1108 = arith.constant 1 : i32
      %dma_start3A_1109 = arith.constant 1 : i32
      %dma_start3A_1110 = arith.constant 0 : i32
      %dma_start3A_1111 = arith.constant 0 : i32
      %dma_start3A_1112 = tpu.memref_slice %arg6[%dma_start3A_1108, %dma_start3A_1110, %dma_start3A_1111] : memref<4x128x128xf32, #tpu.memory_space<vmem>> -> memref<1x128x128xf32, #tpu.memory_space<vmem>>
      %dma_start3A_1113 = tpu.memref_squeeze %dma_start3A_1112 : memref<1x128x128xf32, #tpu.memory_space<vmem>> -> memref<128x128xf32, #tpu.memory_space<vmem>>
      %dma_start3A_1114 = tpu.memref_slice %arg5[%mul3A_1107] : memref<25600xi32, #tpu.memory_space<vmem>> -> memref<128xi32, #tpu.memory_space<vmem>>
      %dma_start3A_1115 = arith.constant 0 : i32
      %dma_start3A_1116 = arith.constant 0 : i32
      %dma_start3A_1117 = tpu.memref_slice %arg2[%dma_start3A_1115, %dma_start3A_1116] : memref<100000x128xf32, #tpu.memory_space<hbm>> -> memref<100000x128xf32, #tpu.memory_space<hbm>>
      %dma_start3A_1118 = tpu.memref_slice %arg8[%dma_start3A_1109] : memref<4x!tpu.dma_semaphore, #tpu.memory_space<semaphore_mem>> -> memref<1x!tpu.dma_semaphore, #tpu.memory_space<semaphore_mem>>
      %dma_start3A_1119 = tpu.memref_squeeze %dma_start3A_1118 : memref<1x!tpu.dma_semaphore, #tpu.memory_space<semaphore_mem>> -> memref<!tpu.dma_semaphore, #tpu.memory_space<semaphore_mem>>
      tpu.enqueue_indirect_dma source(%dma_start3A_1117 : memref<100000x128xf32, #tpu.memory_space<hbm>>) target(%dma_start3A_1113 : memref<128x128xf32, #tpu.memory_space<vmem>>) offsets(%dma_start3A_1114 : memref<128xi32, #tpu.memory_space<vmem>>) semaphore(%dma_start3A_1119 : memref<!tpu.dma_semaphore, #tpu.memory_space<semaphore_mem>>)
    }
    %scan3A_338 = arith.constant 48 : i32
    %dma_wait3A_339 = arith.constant 0 : i32
    %dma_wait3A_340 = arith.constant 0 : i32
    %dma_wait3A_341 = arith.constant 0 : i32
    %dma_wait3A_342 = arith.constant 0 : i32
    %dma_wait3A_343 = tpu.memref_slice %arg6[%dma_wait3A_339, %dma_wait3A_341, %dma_wait3A_342] : memref<4x128x128xf32, #tpu.memory_space<vmem>> -> memref<1x128x128xf32, #tpu.memory_space<vmem>>
    %dma_wait3A_344 = tpu.memref_squeeze %dma_wait3A_343 : memref<1x128x128xf32, #tpu.memory_space<vmem>> -> memref<128x128xf32, #tpu.memory_space<vmem>>
    %dma_wait3A_345 = arith.constant 0 : i32
    %dma_wait3A_346 = tpu.memref_slice %arg5[%dma_wait3A_345] : memref<25600xi32, #tpu.memory_space<vmem>> -> memref<128xi32, #tpu.memory_space<vmem>>
    %dma_wait3A_347 = arith.constant 0 : i32
    %dma_wait3A_348 = arith.constant 0 : i32
    %dma_wait3A_349 = tpu.memref_slice %arg2[%dma_wait3A_347, %dma_wait3A_348] : memref<100000x128xf32, #tpu.memory_space<hbm>> -> memref<100000x128xf32, #tpu.memory_space<hbm>>
    %dma_wait3A_350 = tpu.memref_slice %arg8[%dma_wait3A_340] : memref<4x!tpu.dma_semaphore, #tpu.memory_space<semaphore_mem>> -> memref<1x!tpu.dma_semaphore, #tpu.memory_space<semaphore_mem>>
    %dma_wait3A_351 = tpu.memref_squeeze %dma_wait3A_350 : memref<1x!tpu.dma_semaphore, #tpu.memory_space<semaphore_mem>> -> memref<!tpu.dma_semaphore, #tpu.memory_space<semaphore_mem>>
    tpu.wait_indirect_dma semaphore(%dma_wait3A_351 : memref<!tpu.dma_semaphore, #tpu.memory_space<semaphore_mem>>) src(%dma_wait3A_349 : memref<100000x128xf32, #tpu.memory_space<hbm>>) dst(%dma_wait3A_344 : memref<128x128xf32, #tpu.memory_space<vmem>>)
    %dma_wait3A_352 = arith.constant 0 : i32
    %dma_wait3A_353 = arith.constant 0 : i32
    %dma_wait3A_354 = tpu.memref_slice %arg10[%dma_wait3A_353] : memref<2x!tpu.dma_semaphore, #tpu.memory_space<semaphore_mem>> -> memref<1x!tpu.dma_semaphore, #tpu.memory_space<semaphore_mem>>
    %dma_wait3A_355 = tpu.memref_squeeze %dma_wait3A_354 : memref<1x!tpu.dma_semaphore, #tpu.memory_space<semaphore_mem>> -> memref<!tpu.dma_semaphore, #tpu.memory_space<semaphore_mem>>
    %dma_wait3A_356 = arith.constant 0 : i32
    %dma_wait3A_357 = tpu.memref_slice %arg4[%mul3A_2, %dma_wait3A_356] : memref<819200x128xf32, #tpu.memory_space<hbm>> -> memref<128x128xf32, #tpu.memory_space<hbm>>
    %dma_wait3A_358 = arith.constant 0 : i32
    %dma_wait3A_359 = arith.constant 0 : i32
    %dma_wait3A_360 = tpu.memref_slice %arg7[%arg1, %dma_wait3A_352, %dma_wait3A_358, %dma_wait3A_359] : memref<16x2x128x128xf32, #tpu.memory_space<vmem_shared>> -> memref<1x1x128x128xf32, #tpu.memory_space<vmem_shared>>
    %dma_wait3A_361 = tpu.memref_squeeze %dma_wait3A_360 : memref<1x1x128x128xf32, #tpu.memory_space<vmem_shared>> -> memref<128x128xf32, #tpu.memory_space<vmem_shared>>
    tpu.wait_dma2 semaphore(%dma_wait3A_355 : memref<!tpu.dma_semaphore, #tpu.memory_space<semaphore_mem>>) src(%dma_wait3A_361 : memref<128x128xf32, #tpu.memory_space<vmem_shared>>) dst(%dma_wait3A_357 : memref<128x128xf32, #tpu.memory_space<hbm>>)
    %dma_start3A_362 = arith.constant 0 : i32
    %dma_start3A_363 = arith.constant 0 : i32
    %dma_start3A_364 = arith.constant 0 : i32
    %dma_start3A_365 = arith.constant 0 : i32
    %dma_start3A_366 = arith.constant 0 : i32
    %dma_start3A_367 = tpu.memref_slice %arg6[%dma_start3A_362, %dma_start3A_365, %dma_start3A_366] : memref<4x128x128xf32, #tpu.memory_space<vmem>> -> memref<1x128x128xf32, #tpu.memory_space<vmem>>
    %dma_start3A_368 = tpu.memref_squeeze %dma_start3A_367 : memref<1x128x128xf32, #tpu.memory_space<vmem>> -> memref<128x128xf32, #tpu.memory_space<vmem>>
    %dma_start3A_369 = arith.constant 0 : i32
    %dma_start3A_370 = arith.constant 0 : i32
    %dma_start3A_371 = tpu.memref_slice %arg7[%arg1, %dma_start3A_363, %dma_start3A_369, %dma_start3A_370] : memref<16x2x128x128xf32, #tpu.memory_space<vmem_shared>> -> memref<1x1x128x128xf32, #tpu.memory_space<vmem_shared>>
    %dma_start3A_372 = tpu.memref_squeeze %dma_start3A_371 : memref<1x1x128x128xf32, #tpu.memory_space<vmem_shared>> -> memref<128x128xf32, #tpu.memory_space<vmem_shared>>
    %dma_start3A_373 = tpu.memref_slice %arg9[%dma_start3A_364] : memref<2x!tpu.dma_semaphore, #tpu.memory_space<semaphore_mem>> -> memref<1x!tpu.dma_semaphore, #tpu.memory_space<semaphore_mem>>
    %dma_start3A_374 = tpu.memref_squeeze %dma_start3A_373 : memref<1x!tpu.dma_semaphore, #tpu.memory_space<semaphore_mem>> -> memref<!tpu.dma_semaphore, #tpu.memory_space<semaphore_mem>>
    %dma_start3A_375 = arith.constant 0 : i32
    %dma_start3A_376 = arith.constant 0 : i32
    %dma_start3A_377 = tpu.memref_slice %arg7[%arg1, %dma_start3A_363, %dma_start3A_375, %dma_start3A_376] : memref<16x2x128x128xf32, #tpu.memory_space<vmem_shared>> -> memref<1x1x128x128xf32, #tpu.memory_space<vmem_shared>>
    %dma_start3A_378 = tpu.memref_squeeze %dma_start3A_377 : memref<1x1x128x128xf32, #tpu.memory_space<vmem_shared>> -> memref<128x128xf32, #tpu.memory_space<vmem_shared>>
    %dma_start3A_379 = arith.constant 0 : i32
    %dma_start3A_380 = arith.constant 0 : i32
    %dma_start3A_381 = tpu.memref_slice %arg6[%dma_start3A_362, %dma_start3A_379, %dma_start3A_380] : memref<4x128x128xf32, #tpu.memory_space<vmem>> -> memref<1x128x128xf32, #tpu.memory_space<vmem>>
    %dma_start3A_382 = tpu.memref_squeeze %dma_start3A_381 : memref<1x128x128xf32, #tpu.memory_space<vmem>> -> memref<128x128xf32, #tpu.memory_space<vmem>>
    tpu.enqueue_dma source(%dma_start3A_382 : memref<128x128xf32, #tpu.memory_space<vmem>>) target(%dma_start3A_378 : memref<128x128xf32, #tpu.memory_space<vmem_shared>>) target_semaphore(%dma_start3A_374 : memref<!tpu.dma_semaphore, #tpu.memory_space<semaphore_mem>>)
    %dma_wait3A_383 = arith.constant 0 : i32
    %dma_wait3A_384 = arith.constant 1 : i32
    %dma_wait3A_385 = arith.constant 1 : i32
    %dma_wait3A_386 = arith.constant 0 : i32
    %dma_wait3A_387 = arith.constant 0 : i32
    %dma_wait3A_388 = tpu.memref_slice %arg6[%dma_wait3A_383, %dma_wait3A_386, %dma_wait3A_387] : memref<4x128x128xf32, #tpu.memory_space<vmem>> -> memref<1x128x128xf32, #tpu.memory_space<vmem>>
    %dma_wait3A_389 = tpu.memref_squeeze %dma_wait3A_388 : memref<1x128x128xf32, #tpu.memory_space<vmem>> -> memref<128x128xf32, #tpu.memory_space<vmem>>
    %dma_wait3A_390 = arith.constant 0 : i32
    %dma_wait3A_391 = arith.constant 0 : i32
    %dma_wait3A_392 = tpu.memref_slice %arg7[%arg1, %dma_wait3A_384, %dma_wait3A_390, %dma_wait3A_391] : memref<16x2x128x128xf32, #tpu.memory_space<vmem_shared>> -> memref<1x1x128x128xf32, #tpu.memory_space<vmem_shared>>
    %dma_wait3A_393 = tpu.memref_squeeze %dma_wait3A_392 : memref<1x1x128x128xf32, #tpu.memory_space<vmem_shared>> -> memref<128x128xf32, #tpu.memory_space<vmem_shared>>
    %dma_wait3A_394 = tpu.memref_slice %arg9[%dma_wait3A_385] : memref<2x!tpu.dma_semaphore, #tpu.memory_space<semaphore_mem>> -> memref<1x!tpu.dma_semaphore, #tpu.memory_space<semaphore_mem>>
    %dma_wait3A_395 = tpu.memref_squeeze %dma_wait3A_394 : memref<1x!tpu.dma_semaphore, #tpu.memory_space<semaphore_mem>> -> memref<!tpu.dma_semaphore, #tpu.memory_space<semaphore_mem>>
    %dma_wait3A_396 = arith.constant 0 : i32
    %dma_wait3A_397 = arith.constant 0 : i32
    %dma_wait3A_398 = tpu.memref_slice %arg7[%arg1, %dma_wait3A_384, %dma_wait3A_396, %dma_wait3A_397] : memref<16x2x128x128xf32, #tpu.memory_space<vmem_shared>> -> memref<1x1x128x128xf32, #tpu.memory_space<vmem_shared>>
    %dma_wait3A_399 = tpu.memref_squeeze %dma_wait3A_398 : memref<1x1x128x128xf32, #tpu.memory_space<vmem_shared>> -> memref<128x128xf32, #tpu.memory_space<vmem_shared>>
    %dma_wait3A_400 = arith.constant 0 : i32
    %dma_wait3A_401 = arith.constant 0 : i32
    %dma_wait3A_402 = tpu.memref_slice %arg6[%dma_wait3A_383, %dma_wait3A_400, %dma_wait3A_401] : memref<4x128x128xf32, #tpu.memory_space<vmem>> -> memref<1x128x128xf32, #tpu.memory_space<vmem>>
    %dma_wait3A_403 = tpu.memref_squeeze %dma_wait3A_402 : memref<1x128x128xf32, #tpu.memory_space<vmem>> -> memref<128x128xf32, #tpu.memory_space<vmem>>
    tpu.wait_dma2 semaphore(%dma_wait3A_395 : memref<!tpu.dma_semaphore, #tpu.memory_space<semaphore_mem>>) src(%dma_wait3A_403 : memref<128x128xf32, #tpu.memory_space<vmem>>) dst(%dma_wait3A_399 : memref<128x128xf32, #tpu.memory_space<vmem_shared>>)
    %add3A_404 = arith.constant 24960 : i32
    %add3A_405 = arith.addi %mul3A_2, %add3A_404 : i32
    %dma_start3A_406 = arith.constant 1 : i32
    %dma_start3A_407 = arith.constant 1 : i32
    %dma_start3A_408 = tpu.memref_slice %arg10[%dma_start3A_407] : memref<2x!tpu.dma_semaphore, #tpu.memory_space<semaphore_mem>> -> memref<1x!tpu.dma_semaphore, #tpu.memory_space<semaphore_mem>>
    %dma_start3A_409 = tpu.memref_squeeze %dma_start3A_408 : memref<1x!tpu.dma_semaphore, #tpu.memory_space<semaphore_mem>> -> memref<!tpu.dma_semaphore, #tpu.memory_space<semaphore_mem>>
    %dma_start3A_410 = arith.constant 0 : i32
    %dma_start3A_411 = tpu.memref_slice %arg4[%add3A_405, %dma_start3A_410] : memref<819200x128xf32, #tpu.memory_space<hbm>> -> memref<128x128xf32, #tpu.memory_space<hbm>>
    %dma_start3A_412 = arith.constant 0 : i32
    %dma_start3A_413 = arith.constant 0 : i32
    %dma_start3A_414 = tpu.memref_slice %arg7[%arg1, %dma_start3A_406, %dma_start3A_412, %dma_start3A_413] : memref<16x2x128x128xf32, #tpu.memory_space<vmem_shared>> -> memref<1x1x128x128xf32, #tpu.memory_space<vmem_shared>>
    %dma_start3A_415 = tpu.memref_squeeze %dma_start3A_414 : memref<1x1x128x128xf32, #tpu.memory_space<vmem_shared>> -> memref<128x128xf32, #tpu.memory_space<vmem_shared>>
    tpu.enqueue_dma source(%dma_start3A_415 : memref<128x128xf32, #tpu.memory_space<vmem_shared>>) target(%dma_start3A_411 : memref<128x128xf32, #tpu.memory_space<hbm>>) target_semaphore(%dma_start3A_409 : memref<!tpu.dma_semaphore, #tpu.memory_space<semaphore_mem>>)
    %dma_start3A_416 = arith.constant 2 : i32
    %dma_start3A_417 = arith.constant 2 : i32
    %dma_start3A_418 = arith.constant 0 : i32
    %dma_start3A_419 = arith.constant 0 : i32
    %dma_start3A_420 = tpu.memref_slice %arg6[%dma_start3A_416, %dma_start3A_418, %dma_start3A_419] : memref<4x128x128xf32, #tpu.memory_space<vmem>> -> memref<1x128x128xf32, #tpu.memory_space<vmem>>
    %dma_start3A_421 = tpu.memref_squeeze %dma_start3A_420 : memref<1x128x128xf32, #tpu.memory_space<vmem>> -> memref<128x128xf32, #tpu.memory_space<vmem>>
    %dma_start3A_422 = arith.constant 25344 : i32
    %dma_start3A_423 = tpu.memref_slice %arg5[%dma_start3A_422] : memref<25600xi32, #tpu.memory_space<vmem>> -> memref<128xi32, #tpu.memory_space<vmem>>
    %dma_start3A_424 = arith.constant 0 : i32
    %dma_start3A_425 = arith.constant 0 : i32
    %dma_start3A_426 = tpu.memref_slice %arg2[%dma_start3A_424, %dma_start3A_425] : memref<100000x128xf32, #tpu.memory_space<hbm>> -> memref<100000x128xf32, #tpu.memory_space<hbm>>
    %dma_start3A_427 = tpu.memref_slice %arg8[%dma_start3A_417] : memref<4x!tpu.dma_semaphore, #tpu.memory_space<semaphore_mem>> -> memref<1x!tpu.dma_semaphore, #tpu.memory_space<semaphore_mem>>
    %dma_start3A_428 = tpu.memref_squeeze %dma_start3A_427 : memref<1x!tpu.dma_semaphore, #tpu.memory_space<semaphore_mem>> -> memref<!tpu.dma_semaphore, #tpu.memory_space<semaphore_mem>>
    tpu.enqueue_indirect_dma source(%dma_start3A_426 : memref<100000x128xf32, #tpu.memory_space<hbm>>) target(%dma_start3A_421 : memref<128x128xf32, #tpu.memory_space<vmem>>) offsets(%dma_start3A_423 : memref<128xi32, #tpu.memory_space<vmem>>) semaphore(%dma_start3A_428 : memref<!tpu.dma_semaphore, #tpu.memory_space<semaphore_mem>>)
    %dma_wait3A_429 = arith.constant 1 : i32
    %dma_wait3A_430 = arith.constant 1 : i32
    %dma_wait3A_431 = arith.constant 0 : i32
    %dma_wait3A_432 = arith.constant 0 : i32
    %dma_wait3A_433 = tpu.memref_slice %arg6[%dma_wait3A_429, %dma_wait3A_431, %dma_wait3A_432] : memref<4x128x128xf32, #tpu.memory_space<vmem>> -> memref<1x128x128xf32, #tpu.memory_space<vmem>>
    %dma_wait3A_434 = tpu.memref_squeeze %dma_wait3A_433 : memref<1x128x128xf32, #tpu.memory_space<vmem>> -> memref<128x128xf32, #tpu.memory_space<vmem>>
    %dma_wait3A_435 = arith.constant 0 : i32
    %dma_wait3A_436 = tpu.memref_slice %arg5[%dma_wait3A_435] : memref<25600xi32, #tpu.memory_space<vmem>> -> memref<128xi32, #tpu.memory_space<vmem>>
    %dma_wait3A_437 = arith.constant 0 : i32
    %dma_wait3A_438 = arith.constant 0 : i32
    %dma_wait3A_439 = tpu.memref_slice %arg2[%dma_wait3A_437, %dma_wait3A_438] : memref<100000x128xf32, #tpu.memory_space<hbm>> -> memref<100000x128xf32, #tpu.memory_space<hbm>>
    %dma_wait3A_440 = tpu.memref_slice %arg8[%dma_wait3A_430] : memref<4x!tpu.dma_semaphore, #tpu.memory_space<semaphore_mem>> -> memref<1x!tpu.dma_semaphore, #tpu.memory_space<semaphore_mem>>
    %dma_wait3A_441 = tpu.memref_squeeze %dma_wait3A_440 : memref<1x!tpu.dma_semaphore, #tpu.memory_space<semaphore_mem>> -> memref<!tpu.dma_semaphore, #tpu.memory_space<semaphore_mem>>
    tpu.wait_indirect_dma semaphore(%dma_wait3A_441 : memref<!tpu.dma_semaphore, #tpu.memory_space<semaphore_mem>>) src(%dma_wait3A_439 : memref<100000x128xf32, #tpu.memory_space<hbm>>) dst(%dma_wait3A_434 : memref<128x128xf32, #tpu.memory_space<vmem>>)
    %dma_wait3A_442 = arith.constant 1 : i32
    %dma_wait3A_443 = arith.constant 1 : i32
    %dma_wait3A_444 = tpu.memref_slice %arg10[%dma_wait3A_443] : memref<2x!tpu.dma_semaphore, #tpu.memory_space<semaphore_mem>> -> memref<1x!tpu.dma_semaphore, #tpu.memory_space<semaphore_mem>>
    %dma_wait3A_445 = tpu.memref_squeeze %dma_wait3A_444 : memref<1x!tpu.dma_semaphore, #tpu.memory_space<semaphore_mem>> -> memref<!tpu.dma_semaphore, #tpu.memory_space<semaphore_mem>>
    %dma_wait3A_446 = arith.constant 0 : i32
    %dma_wait3A_447 = tpu.memref_slice %arg4[%mul3A_2, %dma_wait3A_446] : memref<819200x128xf32, #tpu.memory_space<hbm>> -> memref<128x128xf32, #tpu.memory_space<hbm>>
    %dma_wait3A_448 = arith.constant 0 : i32
    %dma_wait3A_449 = arith.constant 0 : i32
    %dma_wait3A_450 = tpu.memref_slice %arg7[%arg1, %dma_wait3A_442, %dma_wait3A_448, %dma_wait3A_449] : memref<16x2x128x128xf32, #tpu.memory_space<vmem_shared>> -> memref<1x1x128x128xf32, #tpu.memory_space<vmem_shared>>
    %dma_wait3A_451 = tpu.memref_squeeze %dma_wait3A_450 : memref<1x1x128x128xf32, #tpu.memory_space<vmem_shared>> -> memref<128x128xf32, #tpu.memory_space<vmem_shared>>
    tpu.wait_dma2 semaphore(%dma_wait3A_445 : memref<!tpu.dma_semaphore, #tpu.memory_space<semaphore_mem>>) src(%dma_wait3A_451 : memref<128x128xf32, #tpu.memory_space<vmem_shared>>) dst(%dma_wait3A_447 : memref<128x128xf32, #tpu.memory_space<hbm>>)
    %dma_start3A_452 = arith.constant 1 : i32
    %dma_start3A_453 = arith.constant 1 : i32
    %dma_start3A_454 = arith.constant 1 : i32
    %dma_start3A_455 = arith.constant 0 : i32
    %dma_start3A_456 = arith.constant 0 : i32
    %dma_start3A_457 = tpu.memref_slice %arg6[%dma_start3A_452, %dma_start3A_455, %dma_start3A_456] : memref<4x128x128xf32, #tpu.memory_space<vmem>> -> memref<1x128x128xf32, #tpu.memory_space<vmem>>
    %dma_start3A_458 = tpu.memref_squeeze %dma_start3A_457 : memref<1x128x128xf32, #tpu.memory_space<vmem>> -> memref<128x128xf32, #tpu.memory_space<vmem>>
    %dma_start3A_459 = arith.constant 0 : i32
    %dma_start3A_460 = arith.constant 0 : i32
    %dma_start3A_461 = tpu.memref_slice %arg7[%arg1, %dma_start3A_453, %dma_start3A_459, %dma_start3A_460] : memref<16x2x128x128xf32, #tpu.memory_space<vmem_shared>> -> memref<1x1x128x128xf32, #tpu.memory_space<vmem_shared>>
    %dma_start3A_462 = tpu.memref_squeeze %dma_start3A_461 : memref<1x1x128x128xf32, #tpu.memory_space<vmem_shared>> -> memref<128x128xf32, #tpu.memory_space<vmem_shared>>
    %dma_start3A_463 = tpu.memref_slice %arg9[%dma_start3A_454] : memref<2x!tpu.dma_semaphore, #tpu.memory_space<semaphore_mem>> -> memref<1x!tpu.dma_semaphore, #tpu.memory_space<semaphore_mem>>
    %dma_start3A_464 = tpu.memref_squeeze %dma_start3A_463 : memref<1x!tpu.dma_semaphore, #tpu.memory_space<semaphore_mem>> -> memref<!tpu.dma_semaphore, #tpu.memory_space<semaphore_mem>>
    %dma_start3A_465 = arith.constant 0 : i32
    %dma_start3A_466 = arith.constant 0 : i32
    %dma_start3A_467 = tpu.memref_slice %arg7[%arg1, %dma_start3A_453, %dma_start3A_465, %dma_start3A_466] : memref<16x2x128x128xf32, #tpu.memory_space<vmem_shared>> -> memref<1x1x128x128xf32, #tpu.memory_space<vmem_shared>>
    %dma_start3A_468 = tpu.memref_squeeze %dma_start3A_467 : memref<1x1x128x128xf32, #tpu.memory_space<vmem_shared>> -> memref<128x128xf32, #tpu.memory_space<vmem_shared>>
    %dma_start3A_469 = arith.constant 0 : i32
    %dma_start3A_470 = arith.constant 0 : i32
    %dma_start3A_471 = tpu.memref_slice %arg6[%dma_start3A_452, %dma_start3A_469, %dma_start3A_470] : memref<4x128x128xf32, #tpu.memory_space<vmem>> -> memref<1x128x128xf32, #tpu.memory_space<vmem>>
    %dma_start3A_472 = tpu.memref_squeeze %dma_start3A_471 : memref<1x128x128xf32, #tpu.memory_space<vmem>> -> memref<128x128xf32, #tpu.memory_space<vmem>>
    tpu.enqueue_dma source(%dma_start3A_472 : memref<128x128xf32, #tpu.memory_space<vmem>>) target(%dma_start3A_468 : memref<128x128xf32, #tpu.memory_space<vmem_shared>>) target_semaphore(%dma_start3A_464 : memref<!tpu.dma_semaphore, #tpu.memory_space<semaphore_mem>>)
    %dma_wait3A_473 = arith.constant 0 : i32
    %dma_wait3A_474 = arith.constant 0 : i32
    %dma_wait3A_475 = arith.constant 0 : i32
    %dma_wait3A_476 = arith.constant 0 : i32
    %dma_wait3A_477 = arith.constant 0 : i32
    %dma_wait3A_478 = tpu.memref_slice %arg6[%dma_wait3A_473, %dma_wait3A_476, %dma_wait3A_477] : memref<4x128x128xf32, #tpu.memory_space<vmem>> -> memref<1x128x128xf32, #tpu.memory_space<vmem>>
    %dma_wait3A_479 = tpu.memref_squeeze %dma_wait3A_478 : memref<1x128x128xf32, #tpu.memory_space<vmem>> -> memref<128x128xf32, #tpu.memory_space<vmem>>
    %dma_wait3A_480 = arith.constant 0 : i32
    %dma_wait3A_481 = arith.constant 0 : i32
    %dma_wait3A_482 = tpu.memref_slice %arg7[%arg1, %dma_wait3A_474, %dma_wait3A_480, %dma_wait3A_481] : memref<16x2x128x128xf32, #tpu.memory_space<vmem_shared>> -> memref<1x1x128x128xf32, #tpu.memory_space<vmem_shared>>
    %dma_wait3A_483 = tpu.memref_squeeze %dma_wait3A_482 : memref<1x1x128x128xf32, #tpu.memory_space<vmem_shared>> -> memref<128x128xf32, #tpu.memory_space<vmem_shared>>
    %dma_wait3A_484 = tpu.memref_slice %arg9[%dma_wait3A_475] : memref<2x!tpu.dma_semaphore, #tpu.memory_space<semaphore_mem>> -> memref<1x!tpu.dma_semaphore, #tpu.memory_space<semaphore_mem>>
    %dma_wait3A_485 = tpu.memref_squeeze %dma_wait3A_484 : memref<1x!tpu.dma_semaphore, #tpu.memory_space<semaphore_mem>> -> memref<!tpu.dma_semaphore, #tpu.memory_space<semaphore_mem>>
    %dma_wait3A_486 = arith.constant 0 : i32
    %dma_wait3A_487 = arith.constant 0 : i32
    %dma_wait3A_488 = tpu.memref_slice %arg7[%arg1, %dma_wait3A_474, %dma_wait3A_486, %dma_wait3A_487] : memref<16x2x128x128xf32, #tpu.memory_space<vmem_shared>> -> memref<1x1x128x128xf32, #tpu.memory_space<vmem_shared>>
    %dma_wait3A_489 = tpu.memref_squeeze %dma_wait3A_488 : memref<1x1x128x128xf32, #tpu.memory_space<vmem_shared>> -> memref<128x128xf32, #tpu.memory_space<vmem_shared>>
    %dma_wait3A_490 = arith.constant 0 : i32
    %dma_wait3A_491 = arith.constant 0 : i32
    %dma_wait3A_492 = tpu.memref_slice %arg6[%dma_wait3A_473, %dma_wait3A_490, %dma_wait3A_491] : memref<4x128x128xf32, #tpu.memory_space<vmem>> -> memref<1x128x128xf32, #tpu.memory_space<vmem>>
    %dma_wait3A_493 = tpu.memref_squeeze %dma_wait3A_492 : memref<1x128x128xf32, #tpu.memory_space<vmem>> -> memref<128x128xf32, #tpu.memory_space<vmem>>
    tpu.wait_dma2 semaphore(%dma_wait3A_485 : memref<!tpu.dma_semaphore, #tpu.memory_space<semaphore_mem>>) src(%dma_wait3A_493 : memref<128x128xf32, #tpu.memory_space<vmem>>) dst(%dma_wait3A_489 : memref<128x128xf32, #tpu.memory_space<vmem_shared>>)
    %add3A_494 = arith.constant 25088 : i32
    %add3A_495 = arith.addi %mul3A_2, %add3A_494 : i32
    %dma_start3A_496 = arith.constant 0 : i32
    %dma_start3A_497 = arith.constant 0 : i32
    %dma_start3A_498 = tpu.memref_slice %arg10[%dma_start3A_497] : memref<2x!tpu.dma_semaphore, #tpu.memory_space<semaphore_mem>> -> memref<1x!tpu.dma_semaphore, #tpu.memory_space<semaphore_mem>>
    %dma_start3A_499 = tpu.memref_squeeze %dma_start3A_498 : memref<1x!tpu.dma_semaphore, #tpu.memory_space<semaphore_mem>> -> memref<!tpu.dma_semaphore, #tpu.memory_space<semaphore_mem>>
    %dma_start3A_500 = arith.constant 0 : i32
    %dma_start3A_501 = tpu.memref_slice %arg4[%add3A_495, %dma_start3A_500] : memref<819200x128xf32, #tpu.memory_space<hbm>> -> memref<128x128xf32, #tpu.memory_space<hbm>>
    %dma_start3A_502 = arith.constant 0 : i32
    %dma_start3A_503 = arith.constant 0 : i32
    %dma_start3A_504 = tpu.memref_slice %arg7[%arg1, %dma_start3A_496, %dma_start3A_502, %dma_start3A_503] : memref<16x2x128x128xf32, #tpu.memory_space<vmem_shared>> -> memref<1x1x128x128xf32, #tpu.memory_space<vmem_shared>>
    %dma_start3A_505 = tpu.memref_squeeze %dma_start3A_504 : memref<1x1x128x128xf32, #tpu.memory_space<vmem_shared>> -> memref<128x128xf32, #tpu.memory_space<vmem_shared>>
    tpu.enqueue_dma source(%dma_start3A_505 : memref<128x128xf32, #tpu.memory_space<vmem_shared>>) target(%dma_start3A_501 : memref<128x128xf32, #tpu.memory_space<hbm>>) target_semaphore(%dma_start3A_499 : memref<!tpu.dma_semaphore, #tpu.memory_space<semaphore_mem>>)
    %dma_start3A_506 = arith.constant 3 : i32
    %dma_start3A_507 = arith.constant 3 : i32
    %dma_start3A_508 = arith.constant 0 : i32
    %dma_start3A_509 = arith.constant 0 : i32
    %dma_start3A_510 = tpu.memref_slice %arg6[%dma_start3A_506, %dma_start3A_508, %dma_start3A_509] : memref<4x128x128xf32, #tpu.memory_space<vmem>> -> memref<1x128x128xf32, #tpu.memory_space<vmem>>
    %dma_start3A_511 = tpu.memref_squeeze %dma_start3A_510 : memref<1x128x128xf32, #tpu.memory_space<vmem>> -> memref<128x128xf32, #tpu.memory_space<vmem>>
    %dma_start3A_512 = arith.constant 25472 : i32
    %dma_start3A_513 = tpu.memref_slice %arg5[%dma_start3A_512] : memref<25600xi32, #tpu.memory_space<vmem>> -> memref<128xi32, #tpu.memory_space<vmem>>
    %dma_start3A_514 = arith.constant 0 : i32
    %dma_start3A_515 = arith.constant 0 : i32
    %dma_start3A_516 = tpu.memref_slice %arg2[%dma_start3A_514, %dma_start3A_515] : memref<100000x128xf32, #tpu.memory_space<hbm>> -> memref<100000x128xf32, #tpu.memory_space<hbm>>
    %dma_start3A_517 = tpu.memref_slice %arg8[%dma_start3A_507] : memref<4x!tpu.dma_semaphore, #tpu.memory_space<semaphore_mem>> -> memref<1x!tpu.dma_semaphore, #tpu.memory_space<semaphore_mem>>
    %dma_start3A_518 = tpu.memref_squeeze %dma_start3A_517 : memref<1x!tpu.dma_semaphore, #tpu.memory_space<semaphore_mem>> -> memref<!tpu.dma_semaphore, #tpu.memory_space<semaphore_mem>>
    tpu.enqueue_indirect_dma source(%dma_start3A_516 : memref<100000x128xf32, #tpu.memory_space<hbm>>) target(%dma_start3A_511 : memref<128x128xf32, #tpu.memory_space<vmem>>) offsets(%dma_start3A_513 : memref<128xi32, #tpu.memory_space<vmem>>) semaphore(%dma_start3A_518 : memref<!tpu.dma_semaphore, #tpu.memory_space<semaphore_mem>>)
    %dma_wait3A_519 = arith.constant 2 : i32
    %dma_wait3A_520 = arith.constant 2 : i32
    %dma_wait3A_521 = arith.constant 0 : i32
    %dma_wait3A_522 = arith.constant 0 : i32
    %dma_wait3A_523 = tpu.memref_slice %arg6[%dma_wait3A_519, %dma_wait3A_521, %dma_wait3A_522] : memref<4x128x128xf32, #tpu.memory_space<vmem>> -> memref<1x128x128xf32, #tpu.memory_space<vmem>>
    %dma_wait3A_524 = tpu.memref_squeeze %dma_wait3A_523 : memref<1x128x128xf32, #tpu.memory_space<vmem>> -> memref<128x128xf32, #tpu.memory_space<vmem>>
    %dma_wait3A_525 = arith.constant 0 : i32
    %dma_wait3A_526 = tpu.memref_slice %arg5[%dma_wait3A_525] : memref<25600xi32, #tpu.memory_space<vmem>> -> memref<128xi32, #tpu.memory_space<vmem>>
    %dma_wait3A_527 = arith.constant 0 : i32
    %dma_wait3A_528 = arith.constant 0 : i32
    %dma_wait3A_529 = tpu.memref_slice %arg2[%dma_wait3A_527, %dma_wait3A_528] : memref<100000x128xf32, #tpu.memory_space<hbm>> -> memref<100000x128xf32, #tpu.memory_space<hbm>>
    %dma_wait3A_530 = tpu.memref_slice %arg8[%dma_wait3A_520] : memref<4x!tpu.dma_semaphore, #tpu.memory_space<semaphore_mem>> -> memref<1x!tpu.dma_semaphore, #tpu.memory_space<semaphore_mem>>
    %dma_wait3A_531 = tpu.memref_squeeze %dma_wait3A_530 : memref<1x!tpu.dma_semaphore, #tpu.memory_space<semaphore_mem>> -> memref<!tpu.dma_semaphore, #tpu.memory_space<semaphore_mem>>
    tpu.wait_indirect_dma semaphore(%dma_wait3A_531 : memref<!tpu.dma_semaphore, #tpu.memory_space<semaphore_mem>>) src(%dma_wait3A_529 : memref<100000x128xf32, #tpu.memory_space<hbm>>) dst(%dma_wait3A_524 : memref<128x128xf32, #tpu.memory_space<vmem>>)
    %dma_wait3A_532 = arith.constant 0 : i32
    %dma_wait3A_533 = arith.constant 0 : i32
    %dma_wait3A_534 = tpu.memref_slice %arg10[%dma_wait3A_533] : memref<2x!tpu.dma_semaphore, #tpu.memory_space<semaphore_mem>> -> memref<1x!tpu.dma_semaphore, #tpu.memory_space<semaphore_mem>>
    %dma_wait3A_535 = tpu.memref_squeeze %dma_wait3A_534 : memref<1x!tpu.dma_semaphore, #tpu.memory_space<semaphore_mem>> -> memref<!tpu.dma_semaphore, #tpu.memory_space<semaphore_mem>>
    %dma_wait3A_536 = arith.constant 0 : i32
    %dma_wait3A_537 = tpu.memref_slice %arg4[%mul3A_2, %dma_wait3A_536] : memref<819200x128xf32, #tpu.memory_space<hbm>> -> memref<128x128xf32, #tpu.memory_space<hbm>>
    %dma_wait3A_538 = arith.constant 0 : i32
    %dma_wait3A_539 = arith.constant 0 : i32
    %dma_wait3A_540 = tpu.memref_slice %arg7[%arg1, %dma_wait3A_532, %dma_wait3A_538, %dma_wait3A_539] : memref<16x2x128x128xf32, #tpu.memory_space<vmem_shared>> -> memref<1x1x128x128xf32, #tpu.memory_space<vmem_shared>>
    %dma_wait3A_541 = tpu.memref_squeeze %dma_wait3A_540 : memref<1x1x128x128xf32, #tpu.memory_space<vmem_shared>> -> memref<128x128xf32, #tpu.memory_space<vmem_shared>>
    tpu.wait_dma2 semaphore(%dma_wait3A_535 : memref<!tpu.dma_semaphore, #tpu.memory_space<semaphore_mem>>) src(%dma_wait3A_541 : memref<128x128xf32, #tpu.memory_space<vmem_shared>>) dst(%dma_wait3A_537 : memref<128x128xf32, #tpu.memory_space<hbm>>)
    %dma_start3A_542 = arith.constant 2 : i32
    %dma_start3A_543 = arith.constant 0 : i32
    %dma_start3A_544 = arith.constant 0 : i32
    %dma_start3A_545 = arith.constant 0 : i32
    %dma_start3A_546 = arith.constant 0 : i32
    %dma_start3A_547 = tpu.memref_slice %arg6[%dma_start3A_542, %dma_start3A_545, %dma_start3A_546] : memref<4x128x128xf32, #tpu.memory_space<vmem>> -> memref<1x128x128xf32, #tpu.memory_space<vmem>>
    %dma_start3A_548 = tpu.memref_squeeze %dma_start3A_547 : memref<1x128x128xf32, #tpu.memory_space<vmem>> -> memref<128x128xf32, #tpu.memory_space<vmem>>
    %dma_start3A_549 = arith.constant 0 : i32
    %dma_start3A_550 = arith.constant 0 : i32
    %dma_start3A_551 = tpu.memref_slice %arg7[%arg1, %dma_start3A_543, %dma_start3A_549, %dma_start3A_550] : memref<16x2x128x128xf32, #tpu.memory_space<vmem_shared>> -> memref<1x1x128x128xf32, #tpu.memory_space<vmem_shared>>
    %dma_start3A_552 = tpu.memref_squeeze %dma_start3A_551 : memref<1x1x128x128xf32, #tpu.memory_space<vmem_shared>> -> memref<128x128xf32, #tpu.memory_space<vmem_shared>>
    %dma_start3A_553 = tpu.memref_slice %arg9[%dma_start3A_544] : memref<2x!tpu.dma_semaphore, #tpu.memory_space<semaphore_mem>> -> memref<1x!tpu.dma_semaphore, #tpu.memory_space<semaphore_mem>>
    %dma_start3A_554 = tpu.memref_squeeze %dma_start3A_553 : memref<1x!tpu.dma_semaphore, #tpu.memory_space<semaphore_mem>> -> memref<!tpu.dma_semaphore, #tpu.memory_space<semaphore_mem>>
    %dma_start3A_555 = arith.constant 0 : i32
    %dma_start3A_556 = arith.constant 0 : i32
    %dma_start3A_557 = tpu.memref_slice %arg7[%arg1, %dma_start3A_543, %dma_start3A_555, %dma_start3A_556] : memref<16x2x128x128xf32, #tpu.memory_space<vmem_shared>> -> memref<1x1x128x128xf32, #tpu.memory_space<vmem_shared>>
    %dma_start3A_558 = tpu.memref_squeeze %dma_start3A_557 : memref<1x1x128x128xf32, #tpu.memory_space<vmem_shared>> -> memref<128x128xf32, #tpu.memory_space<vmem_shared>>
    %dma_start3A_559 = arith.constant 0 : i32
    %dma_start3A_560 = arith.constant 0 : i32
    %dma_start3A_561 = tpu.memref_slice %arg6[%dma_start3A_542, %dma_start3A_559, %dma_start3A_560] : memref<4x128x128xf32, #tpu.memory_space<vmem>> -> memref<1x128x128xf32, #tpu.memory_space<vmem>>
    %dma_start3A_562 = tpu.memref_squeeze %dma_start3A_561 : memref<1x128x128xf32, #tpu.memory_space<vmem>> -> memref<128x128xf32, #tpu.memory_space<vmem>>
    tpu.enqueue_dma source(%dma_start3A_562 : memref<128x128xf32, #tpu.memory_space<vmem>>) target(%dma_start3A_558 : memref<128x128xf32, #tpu.memory_space<vmem_shared>>) target_semaphore(%dma_start3A_554 : memref<!tpu.dma_semaphore, #tpu.memory_space<semaphore_mem>>)
    %dma_wait3A_563 = arith.constant 0 : i32
    %dma_wait3A_564 = arith.constant 1 : i32
    %dma_wait3A_565 = arith.constant 1 : i32
    %dma_wait3A_566 = arith.constant 0 : i32
    %dma_wait3A_567 = arith.constant 0 : i32
    %dma_wait3A_568 = tpu.memref_slice %arg6[%dma_wait3A_563, %dma_wait3A_566, %dma_wait3A_567] : memref<4x128x128xf32, #tpu.memory_space<vmem>> -> memref<1x128x128xf32, #tpu.memory_space<vmem>>
    %dma_wait3A_569 = tpu.memref_squeeze %dma_wait3A_568 : memref<1x128x128xf32, #tpu.memory_space<vmem>> -> memref<128x128xf32, #tpu.memory_space<vmem>>
    %dma_wait3A_570 = arith.constant 0 : i32
    %dma_wait3A_571 = arith.constant 0 : i32
    %dma_wait3A_572 = tpu.memref_slice %arg7[%arg1, %dma_wait3A_564, %dma_wait3A_570, %dma_wait3A_571] : memref<16x2x128x128xf32, #tpu.memory_space<vmem_shared>> -> memref<1x1x128x128xf32, #tpu.memory_space<vmem_shared>>
    %dma_wait3A_573 = tpu.memref_squeeze %dma_wait3A_572 : memref<1x1x128x128xf32, #tpu.memory_space<vmem_shared>> -> memref<128x128xf32, #tpu.memory_space<vmem_shared>>
    %dma_wait3A_574 = tpu.memref_slice %arg9[%dma_wait3A_565] : memref<2x!tpu.dma_semaphore, #tpu.memory_space<semaphore_mem>> -> memref<1x!tpu.dma_semaphore, #tpu.memory_space<semaphore_mem>>
    %dma_wait3A_575 = tpu.memref_squeeze %dma_wait3A_574 : memref<1x!tpu.dma_semaphore, #tpu.memory_space<semaphore_mem>> -> memref<!tpu.dma_semaphore, #tpu.memory_space<semaphore_mem>>
    %dma_wait3A_576 = arith.constant 0 : i32
    %dma_wait3A_577 = arith.constant 0 : i32
    %dma_wait3A_578 = tpu.memref_slice %arg7[%arg1, %dma_wait3A_564, %dma_wait3A_576, %dma_wait3A_577] : memref<16x2x128x128xf32, #tpu.memory_space<vmem_shared>> -> memref<1x1x128x128xf32, #tpu.memory_space<vmem_shared>>
    %dma_wait3A_579 = tpu.memref_squeeze %dma_wait3A_578 : memref<1x1x128x128xf32, #tpu.memory_space<vmem_shared>> -> memref<128x128xf32, #tpu.memory_space<vmem_shared>>
    %dma_wait3A_580 = arith.constant 0 : i32
    %dma_wait3A_581 = arith.constant 0 : i32
    %dma_wait3A_582 = tpu.memref_slice %arg6[%dma_wait3A_563, %dma_wait3A_580, %dma_wait3A_581] : memref<4x128x128xf32, #tpu.memory_space<vmem>> -> memref<1x128x128xf32, #tpu.memory_space<vmem>>
    %dma_wait3A_583 = tpu.memref_squeeze %dma_wait3A_582 : memref<1x128x128xf32, #tpu.memory_space<vmem>> -> memref<128x128xf32, #tpu.memory_space<vmem>>
    tpu.wait_dma2 semaphore(%dma_wait3A_575 : memref<!tpu.dma_semaphore, #tpu.memory_space<semaphore_mem>>) src(%dma_wait3A_583 : memref<128x128xf32, #tpu.memory_space<vmem>>) dst(%dma_wait3A_579 : memref<128x128xf32, #tpu.memory_space<vmem_shared>>)
    %add3A_584 = arith.constant 25216 : i32
    %add3A_585 = arith.addi %mul3A_2, %add3A_584 : i32
    %dma_start3A_586 = arith.constant 1 : i32
    %dma_start3A_587 = arith.constant 1 : i32
    %dma_start3A_588 = tpu.memref_slice %arg10[%dma_start3A_587] : memref<2x!tpu.dma_semaphore, #tpu.memory_space<semaphore_mem>> -> memref<1x!tpu.dma_semaphore, #tpu.memory_space<semaphore_mem>>
    %dma_start3A_589 = tpu.memref_squeeze %dma_start3A_588 : memref<1x!tpu.dma_semaphore, #tpu.memory_space<semaphore_mem>> -> memref<!tpu.dma_semaphore, #tpu.memory_space<semaphore_mem>>
    %dma_start3A_590 = arith.constant 0 : i32
    %dma_start3A_591 = tpu.memref_slice %arg4[%add3A_585, %dma_start3A_590] : memref<819200x128xf32, #tpu.memory_space<hbm>> -> memref<128x128xf32, #tpu.memory_space<hbm>>
    %dma_start3A_592 = arith.constant 0 : i32
    %dma_start3A_593 = arith.constant 0 : i32
    %dma_start3A_594 = tpu.memref_slice %arg7[%arg1, %dma_start3A_586, %dma_start3A_592, %dma_start3A_593] : memref<16x2x128x128xf32, #tpu.memory_space<vmem_shared>> -> memref<1x1x128x128xf32, #tpu.memory_space<vmem_shared>>
    %dma_start3A_595 = tpu.memref_squeeze %dma_start3A_594 : memref<1x1x128x128xf32, #tpu.memory_space<vmem_shared>> -> memref<128x128xf32, #tpu.memory_space<vmem_shared>>
    tpu.enqueue_dma source(%dma_start3A_595 : memref<128x128xf32, #tpu.memory_space<vmem_shared>>) target(%dma_start3A_591 : memref<128x128xf32, #tpu.memory_space<hbm>>) target_semaphore(%dma_start3A_589 : memref<!tpu.dma_semaphore, #tpu.memory_space<semaphore_mem>>)
    %dma_wait3A_596 = arith.constant 3 : i32
    %dma_wait3A_597 = arith.constant 3 : i32
    %dma_wait3A_598 = arith.constant 0 : i32
    %dma_wait3A_599 = arith.constant 0 : i32
    %dma_wait3A_600 = tpu.memref_slice %arg6[%dma_wait3A_596, %dma_wait3A_598, %dma_wait3A_599] : memref<4x128x128xf32, #tpu.memory_space<vmem>> -> memref<1x128x128xf32, #tpu.memory_space<vmem>>
    %dma_wait3A_601 = tpu.memref_squeeze %dma_wait3A_600 : memref<1x128x128xf32, #tpu.memory_space<vmem>> -> memref<128x128xf32, #tpu.memory_space<vmem>>
    %dma_wait3A_602 = arith.constant 0 : i32
    %dma_wait3A_603 = tpu.memref_slice %arg5[%dma_wait3A_602] : memref<25600xi32, #tpu.memory_space<vmem>> -> memref<128xi32, #tpu.memory_space<vmem>>
    %dma_wait3A_604 = arith.constant 0 : i32
    %dma_wait3A_605 = arith.constant 0 : i32
    %dma_wait3A_606 = tpu.memref_slice %arg2[%dma_wait3A_604, %dma_wait3A_605] : memref<100000x128xf32, #tpu.memory_space<hbm>> -> memref<100000x128xf32, #tpu.memory_space<hbm>>
    %dma_wait3A_607 = tpu.memref_slice %arg8[%dma_wait3A_597] : memref<4x!tpu.dma_semaphore, #tpu.memory_space<semaphore_mem>> -> memref<1x!tpu.dma_semaphore, #tpu.memory_space<semaphore_mem>>
    %dma_wait3A_608 = tpu.memref_squeeze %dma_wait3A_607 : memref<1x!tpu.dma_semaphore, #tpu.memory_space<semaphore_mem>> -> memref<!tpu.dma_semaphore, #tpu.memory_space<semaphore_mem>>
    tpu.wait_indirect_dma semaphore(%dma_wait3A_608 : memref<!tpu.dma_semaphore, #tpu.memory_space<semaphore_mem>>) src(%dma_wait3A_606 : memref<100000x128xf32, #tpu.memory_space<hbm>>) dst(%dma_wait3A_601 : memref<128x128xf32, #tpu.memory_space<vmem>>)
    %dma_wait3A_609 = arith.constant 1 : i32
    %dma_wait3A_610 = arith.constant 1 : i32
    %dma_wait3A_611 = tpu.memref_slice %arg10[%dma_wait3A_610] : memref<2x!tpu.dma_semaphore, #tpu.memory_space<semaphore_mem>> -> memref<1x!tpu.dma_semaphore, #tpu.memory_space<semaphore_mem>>
    %dma_wait3A_612 = tpu.memref_squeeze %dma_wait3A_611 : memref<1x!tpu.dma_semaphore, #tpu.memory_space<semaphore_mem>> -> memref<!tpu.dma_semaphore, #tpu.memory_space<semaphore_mem>>
    %dma_wait3A_613 = arith.constant 0 : i32
    %dma_wait3A_614 = tpu.memref_slice %arg4[%mul3A_2, %dma_wait3A_613] : memref<819200x128xf32, #tpu.memory_space<hbm>> -> memref<128x128xf32, #tpu.memory_space<hbm>>
    %dma_wait3A_615 = arith.constant 0 : i32
    %dma_wait3A_616 = arith.constant 0 : i32
    %dma_wait3A_617 = tpu.memref_slice %arg7[%arg1, %dma_wait3A_609, %dma_wait3A_615, %dma_wait3A_616] : memref<16x2x128x128xf32, #tpu.memory_space<vmem_shared>> -> memref<1x1x128x128xf32, #tpu.memory_space<vmem_shared>>
    %dma_wait3A_618 = tpu.memref_squeeze %dma_wait3A_617 : memref<1x1x128x128xf32, #tpu.memory_space<vmem_shared>> -> memref<128x128xf32, #tpu.memory_space<vmem_shared>>
    tpu.wait_dma2 semaphore(%dma_wait3A_612 : memref<!tpu.dma_semaphore, #tpu.memory_space<semaphore_mem>>) src(%dma_wait3A_618 : memref<128x128xf32, #tpu.memory_space<vmem_shared>>) dst(%dma_wait3A_614 : memref<128x128xf32, #tpu.memory_space<hbm>>)
    %dma_start3A_619 = arith.constant 3 : i32
    %dma_start3A_620 = arith.constant 1 : i32
    %dma_start3A_621 = arith.constant 1 : i32
    %dma_start3A_622 = arith.constant 0 : i32
    %dma_start3A_623 = arith.constant 0 : i32
    %dma_start3A_624 = tpu.memref_slice %arg6[%dma_start3A_619, %dma_start3A_622, %dma_start3A_623] : memref<4x128x128xf32, #tpu.memory_space<vmem>> -> memref<1x128x128xf32, #tpu.memory_space<vmem>>
    %dma_start3A_625 = tpu.memref_squeeze %dma_start3A_624 : memref<1x128x128xf32, #tpu.memory_space<vmem>> -> memref<128x128xf32, #tpu.memory_space<vmem>>
    %dma_start3A_626 = arith.constant 0 : i32
    %dma_start3A_627 = arith.constant 0 : i32
    %dma_start3A_628 = tpu.memref_slice %arg7[%arg1, %dma_start3A_620, %dma_start3A_626, %dma_start3A_627] : memref<16x2x128x128xf32, #tpu.memory_space<vmem_shared>> -> memref<1x1x128x128xf32, #tpu.memory_space<vmem_shared>>
    %dma_start3A_629 = tpu.memref_squeeze %dma_start3A_628 : memref<1x1x128x128xf32, #tpu.memory_space<vmem_shared>> -> memref<128x128xf32, #tpu.memory_space<vmem_shared>>
    %dma_start3A_630 = tpu.memref_slice %arg9[%dma_start3A_621] : memref<2x!tpu.dma_semaphore, #tpu.memory_space<semaphore_mem>> -> memref<1x!tpu.dma_semaphore, #tpu.memory_space<semaphore_mem>>
    %dma_start3A_631 = tpu.memref_squeeze %dma_start3A_630 : memref<1x!tpu.dma_semaphore, #tpu.memory_space<semaphore_mem>> -> memref<!tpu.dma_semaphore, #tpu.memory_space<semaphore_mem>>
    %dma_start3A_632 = arith.constant 0 : i32
    %dma_start3A_633 = arith.constant 0 : i32
    %dma_start3A_634 = tpu.memref_slice %arg7[%arg1, %dma_start3A_620, %dma_start3A_632, %dma_start3A_633] : memref<16x2x128x128xf32, #tpu.memory_space<vmem_shared>> -> memref<1x1x128x128xf32, #tpu.memory_space<vmem_shared>>
    %dma_start3A_635 = tpu.memref_squeeze %dma_start3A_634 : memref<1x1x128x128xf32, #tpu.memory_space<vmem_shared>> -> memref<128x128xf32, #tpu.memory_space<vmem_shared>>
    %dma_start3A_636 = arith.constant 0 : i32
    %dma_start3A_637 = arith.constant 0 : i32
    %dma_start3A_638 = tpu.memref_slice %arg6[%dma_start3A_619, %dma_start3A_636, %dma_start3A_637] : memref<4x128x128xf32, #tpu.memory_space<vmem>> -> memref<1x128x128xf32, #tpu.memory_space<vmem>>
    %dma_start3A_639 = tpu.memref_squeeze %dma_start3A_638 : memref<1x128x128xf32, #tpu.memory_space<vmem>> -> memref<128x128xf32, #tpu.memory_space<vmem>>
    tpu.enqueue_dma source(%dma_start3A_639 : memref<128x128xf32, #tpu.memory_space<vmem>>) target(%dma_start3A_635 : memref<128x128xf32, #tpu.memory_space<vmem_shared>>) target_semaphore(%dma_start3A_631 : memref<!tpu.dma_semaphore, #tpu.memory_space<semaphore_mem>>)
    %dma_wait3A_640 = arith.constant 0 : i32
    %dma_wait3A_641 = arith.constant 0 : i32
    %dma_wait3A_642 = arith.constant 0 : i32
    %dma_wait3A_643 = arith.constant 0 : i32
    %dma_wait3A_644 = arith.constant 0 : i32
    %dma_wait3A_645 = tpu.memref_slice %arg6[%dma_wait3A_640, %dma_wait3A_643, %dma_wait3A_644] : memref<4x128x128xf32, #tpu.memory_space<vmem>> -> memref<1x128x128xf32, #tpu.memory_space<vmem>>
    %dma_wait3A_646 = tpu.memref_squeeze %dma_wait3A_645 : memref<1x128x128xf32, #tpu.memory_space<vmem>> -> memref<128x128xf32, #tpu.memory_space<vmem>>
    %dma_wait3A_647 = arith.constant 0 : i32
    %dma_wait3A_648 = arith.constant 0 : i32
    %dma_wait3A_649 = tpu.memref_slice %arg7[%arg1, %dma_wait3A_641, %dma_wait3A_647, %dma_wait3A_648] : memref<16x2x128x128xf32, #tpu.memory_space<vmem_shared>> -> memref<1x1x128x128xf32, #tpu.memory_space<vmem_shared>>
    %dma_wait3A_650 = tpu.memref_squeeze %dma_wait3A_649 : memref<1x1x128x128xf32, #tpu.memory_space<vmem_shared>> -> memref<128x128xf32, #tpu.memory_space<vmem_shared>>
    %dma_wait3A_651 = tpu.memref_slice %arg9[%dma_wait3A_642] : memref<2x!tpu.dma_semaphore, #tpu.memory_space<semaphore_mem>> -> memref<1x!tpu.dma_semaphore, #tpu.memory_space<semaphore_mem>>
    %dma_wait3A_652 = tpu.memref_squeeze %dma_wait3A_651 : memref<1x!tpu.dma_semaphore, #tpu.memory_space<semaphore_mem>> -> memref<!tpu.dma_semaphore, #tpu.memory_space<semaphore_mem>>
    %dma_wait3A_653 = arith.constant 0 : i32
    %dma_wait3A_654 = arith.constant 0 : i32
    %dma_wait3A_655 = tpu.memref_slice %arg7[%arg1, %dma_wait3A_641, %dma_wait3A_653, %dma_wait3A_654] : memref<16x2x128x128xf32, #tpu.memory_space<vmem_shared>> -> memref<1x1x128x128xf32, #tpu.memory_space<vmem_shared>>
    %dma_wait3A_656 = tpu.memref_squeeze %dma_wait3A_655 : memref<1x1x128x128xf32, #tpu.memory_space<vmem_shared>> -> memref<128x128xf32, #tpu.memory_space<vmem_shared>>
    %dma_wait3A_657 = arith.constant 0 : i32
    %dma_wait3A_658 = arith.constant 0 : i32
    %dma_wait3A_659 = tpu.memref_slice %arg6[%dma_wait3A_640, %dma_wait3A_657, %dma_wait3A_658] : memref<4x128x128xf32, #tpu.memory_space<vmem>> -> memref<1x128x128xf32, #tpu.memory_space<vmem>>
    %dma_wait3A_660 = tpu.memref_squeeze %dma_wait3A_659 : memref<1x128x128xf32, #tpu.memory_space<vmem>> -> memref<128x128xf32, #tpu.memory_space<vmem>>
    tpu.wait_dma2 semaphore(%dma_wait3A_652 : memref<!tpu.dma_semaphore, #tpu.memory_space<semaphore_mem>>) src(%dma_wait3A_660 : memref<128x128xf32, #tpu.memory_space<vmem>>) dst(%dma_wait3A_656 : memref<128x128xf32, #tpu.memory_space<vmem_shared>>)
    %add3A_661 = arith.constant 25344 : i32
    %add3A_662 = arith.addi %mul3A_2, %add3A_661 : i32
    %dma_start3A_663 = arith.constant 0 : i32
    %dma_start3A_664 = arith.constant 0 : i32
    %dma_start3A_665 = tpu.memref_slice %arg10[%dma_start3A_664] : memref<2x!tpu.dma_semaphore, #tpu.memory_space<semaphore_mem>> -> memref<1x!tpu.dma_semaphore, #tpu.memory_space<semaphore_mem>>
    %dma_start3A_666 = tpu.memref_squeeze %dma_start3A_665 : memref<1x!tpu.dma_semaphore, #tpu.memory_space<semaphore_mem>> -> memref<!tpu.dma_semaphore, #tpu.memory_space<semaphore_mem>>
    %dma_start3A_667 = arith.constant 0 : i32
    %dma_start3A_668 = tpu.memref_slice %arg4[%add3A_662, %dma_start3A_667] : memref<819200x128xf32, #tpu.memory_space<hbm>> -> memref<128x128xf32, #tpu.memory_space<hbm>>
    %dma_start3A_669 = arith.constant 0 : i32
    %dma_start3A_670 = arith.constant 0 : i32
    %dma_start3A_671 = tpu.memref_slice %arg7[%arg1, %dma_start3A_663, %dma_start3A_669, %dma_start3A_670] : memref<16x2x128x128xf32, #tpu.memory_space<vmem_shared>> -> memref<1x1x128x128xf32, #tpu.memory_space<vmem_shared>>
    %dma_start3A_672 = tpu.memref_squeeze %dma_start3A_671 : memref<1x1x128x128xf32, #tpu.memory_space<vmem_shared>> -> memref<128x128xf32, #tpu.memory_space<vmem_shared>>
    tpu.enqueue_dma source(%dma_start3A_672 : memref<128x128xf32, #tpu.memory_space<vmem_shared>>) target(%dma_start3A_668 : memref<128x128xf32, #tpu.memory_space<hbm>>) target_semaphore(%dma_start3A_666 : memref<!tpu.dma_semaphore, #tpu.memory_space<semaphore_mem>>)
    %dma_wait3A_673 = arith.constant 0 : i32
    %dma_wait3A_674 = arith.constant 1 : i32
    %dma_wait3A_675 = arith.constant 1 : i32
    %dma_wait3A_676 = arith.constant 0 : i32
    %dma_wait3A_677 = arith.constant 0 : i32
    %dma_wait3A_678 = tpu.memref_slice %arg6[%dma_wait3A_673, %dma_wait3A_676, %dma_wait3A_677] : memref<4x128x128xf32, #tpu.memory_space<vmem>> -> memref<1x128x128xf32, #tpu.memory_space<vmem>>
    %dma_wait3A_679 = tpu.memref_squeeze %dma_wait3A_678 : memref<1x128x128xf32, #tpu.memory_space<vmem>> -> memref<128x128xf32, #tpu.memory_space<vmem>>
    %dma_wait3A_680 = arith.constant 0 : i32
    %dma_wait3A_681 = arith.constant 0 : i32
    %dma_wait3A_682 = tpu.memref_slice %arg7[%arg1, %dma_wait3A_674, %dma_wait3A_680, %dma_wait3A_681] : memref<16x2x128x128xf32, #tpu.memory_space<vmem_shared>> -> memref<1x1x128x128xf32, #tpu.memory_space<vmem_shared>>
    %dma_wait3A_683 = tpu.memref_squeeze %dma_wait3A_682 : memref<1x1x128x128xf32, #tpu.memory_space<vmem_shared>> -> memref<128x128xf32, #tpu.memory_space<vmem_shared>>
    %dma_wait3A_684 = tpu.memref_slice %arg9[%dma_wait3A_675] : memref<2x!tpu.dma_semaphore, #tpu.memory_space<semaphore_mem>> -> memref<1x!tpu.dma_semaphore, #tpu.memory_space<semaphore_mem>>
    %dma_wait3A_685 = tpu.memref_squeeze %dma_wait3A_684 : memref<1x!tpu.dma_semaphore, #tpu.memory_space<semaphore_mem>> -> memref<!tpu.dma_semaphore, #tpu.memory_space<semaphore_mem>>
    %dma_wait3A_686 = arith.constant 0 : i32
    %dma_wait3A_687 = arith.constant 0 : i32
    %dma_wait3A_688 = tpu.memref_slice %arg7[%arg1, %dma_wait3A_674, %dma_wait3A_686, %dma_wait3A_687] : memref<16x2x128x128xf32, #tpu.memory_space<vmem_shared>> -> memref<1x1x128x128xf32, #tpu.memory_space<vmem_shared>>
    %dma_wait3A_689 = tpu.memref_squeeze %dma_wait3A_688 : memref<1x1x128x128xf32, #tpu.memory_space<vmem_shared>> -> memref<128x128xf32, #tpu.memory_space<vmem_shared>>
    %dma_wait3A_690 = arith.constant 0 : i32
    %dma_wait3A_691 = arith.constant 0 : i32
    %dma_wait3A_692 = tpu.memref_slice %arg6[%dma_wait3A_673, %dma_wait3A_690, %dma_wait3A_691] : memref<4x128x128xf32, #tpu.memory_space<vmem>> -> memref<1x128x128xf32, #tpu.memory_space<vmem>>
    %dma_wait3A_693 = tpu.memref_squeeze %dma_wait3A_692 : memref<1x128x128xf32, #tpu.memory_space<vmem>> -> memref<128x128xf32, #tpu.memory_space<vmem>>
    tpu.wait_dma2 semaphore(%dma_wait3A_685 : memref<!tpu.dma_semaphore, #tpu.memory_space<semaphore_mem>>) src(%dma_wait3A_693 : memref<128x128xf32, #tpu.memory_space<vmem>>) dst(%dma_wait3A_689 : memref<128x128xf32, #tpu.memory_space<vmem_shared>>)
    %add3A_694 = arith.constant 25472 : i32
    %add3A_695 = arith.addi %mul3A_2, %add3A_694 : i32
    %dma_start3A_696 = arith.constant 1 : i32
    %dma_start3A_697 = arith.constant 1 : i32
    %dma_start3A_698 = tpu.memref_slice %arg10[%dma_start3A_697] : memref<2x!tpu.dma_semaphore, #tpu.memory_space<semaphore_mem>> -> memref<1x!tpu.dma_semaphore, #tpu.memory_space<semaphore_mem>>
    %dma_start3A_699 = tpu.memref_squeeze %dma_start3A_698 : memref<1x!tpu.dma_semaphore, #tpu.memory_space<semaphore_mem>> -> memref<!tpu.dma_semaphore, #tpu.memory_space<semaphore_mem>>
    %dma_start3A_700 = arith.constant 0 : i32
    %dma_start3A_701 = tpu.memref_slice %arg4[%add3A_695, %dma_start3A_700] : memref<819200x128xf32, #tpu.memory_space<hbm>> -> memref<128x128xf32, #tpu.memory_space<hbm>>
    %dma_start3A_702 = arith.constant 0 : i32
    %dma_start3A_703 = arith.constant 0 : i32
    %dma_start3A_704 = tpu.memref_slice %arg7[%arg1, %dma_start3A_696, %dma_start3A_702, %dma_start3A_703] : memref<16x2x128x128xf32, #tpu.memory_space<vmem_shared>> -> memref<1x1x128x128xf32, #tpu.memory_space<vmem_shared>>
    %dma_start3A_705 = tpu.memref_squeeze %dma_start3A_704 : memref<1x1x128x128xf32, #tpu.memory_space<vmem_shared>> -> memref<128x128xf32, #tpu.memory_space<vmem_shared>>
    tpu.enqueue_dma source(%dma_start3A_705 : memref<128x128xf32, #tpu.memory_space<vmem_shared>>) target(%dma_start3A_701 : memref<128x128xf32, #tpu.memory_space<hbm>>) target_semaphore(%dma_start3A_699 : memref<!tpu.dma_semaphore, #tpu.memory_space<semaphore_mem>>)
    %dma_wait3A_706 = arith.constant 0 : i32
    %dma_wait3A_707 = arith.constant 0 : i32
    %dma_wait3A_708 = tpu.memref_slice %arg10[%dma_wait3A_707] : memref<2x!tpu.dma_semaphore, #tpu.memory_space<semaphore_mem>> -> memref<1x!tpu.dma_semaphore, #tpu.memory_space<semaphore_mem>>
    %dma_wait3A_709 = tpu.memref_squeeze %dma_wait3A_708 : memref<1x!tpu.dma_semaphore, #tpu.memory_space<semaphore_mem>> -> memref<!tpu.dma_semaphore, #tpu.memory_space<semaphore_mem>>
    %dma_wait3A_710 = arith.constant 0 : i32
    %dma_wait3A_711 = tpu.memref_slice %arg4[%mul3A_2, %dma_wait3A_710] : memref<819200x128xf32, #tpu.memory_space<hbm>> -> memref<128x128xf32, #tpu.memory_space<hbm>>
    %dma_wait3A_712 = arith.constant 0 : i32
    %dma_wait3A_713 = arith.constant 0 : i32
    %dma_wait3A_714 = tpu.memref_slice %arg7[%arg1, %dma_wait3A_706, %dma_wait3A_712, %dma_wait3A_713] : memref<16x2x128x128xf32, #tpu.memory_space<vmem_shared>> -> memref<1x1x128x128xf32, #tpu.memory_space<vmem_shared>>
    %dma_wait3A_715 = tpu.memref_squeeze %dma_wait3A_714 : memref<1x1x128x128xf32, #tpu.memory_space<vmem_shared>> -> memref<128x128xf32, #tpu.memory_space<vmem_shared>>
    tpu.wait_dma2 semaphore(%dma_wait3A_709 : memref<!tpu.dma_semaphore, #tpu.memory_space<semaphore_mem>>) src(%dma_wait3A_715 : memref<128x128xf32, #tpu.memory_space<vmem_shared>>) dst(%dma_wait3A_711 : memref<128x128xf32, #tpu.memory_space<hbm>>)
    %dma_wait3A_716 = arith.constant 1 : i32
    %dma_wait3A_717 = arith.constant 1 : i32
    %dma_wait3A_718 = tpu.memref_slice %arg10[%dma_wait3A_717] : memref<2x!tpu.dma_semaphore, #tpu.memory_space<semaphore_mem>> -> memref<1x!tpu.dma_semaphore, #tpu.memory_space<semaphore_mem>>
    %dma_wait3A_719 = tpu.memref_squeeze %dma_wait3A_718 : memref<1x!tpu.dma_semaphore, #tpu.memory_space<semaphore_mem>> -> memref<!tpu.dma_semaphore, #tpu.memory_space<semaphore_mem>>
    %dma_wait3A_720 = arith.constant 0 : i32
    %dma_wait3A_721 = tpu.memref_slice %arg4[%mul3A_2, %dma_wait3A_720] : memref<819200x128xf32, #tpu.memory_space<hbm>> -> memref<128x128xf32, #tpu.memory_space<hbm>>
    %dma_wait3A_722 = arith.constant 0 : i32
    %dma_wait3A_723 = arith.constant 0 : i32
    %dma_wait3A_724 = tpu.memref_slice %arg7[%arg1, %dma_wait3A_716, %dma_wait3A_722, %dma_wait3A_723] : memref<16x2x128x128xf32, #tpu.memory_space<vmem_shared>> -> memref<1x1x128x128xf32, #tpu.memory_space<vmem_shared>>
    %dma_wait3A_725 = tpu.memref_squeeze %dma_wait3A_724 : memref<1x1x128x128xf32, #tpu.memory_space<vmem_shared>> -> memref<128x128xf32, #tpu.memory_space<vmem_shared>>
    tpu.wait_dma2 semaphore(%dma_wait3A_719 : memref<!tpu.dma_semaphore, #tpu.memory_space<semaphore_mem>>) src(%dma_wait3A_725 : memref<128x128xf32, #tpu.memory_space<vmem_shared>>) dst(%dma_wait3A_721 : memref<128x128xf32, #tpu.memory_space<hbm>>)
    return
  }
}

</mosaic_0001>

<sc_bundles>
// kernel: kernel.3.cloned.1.call-start
scs
__scs_entry_jumppad:
0x0: {  	(pc) =	sbr.rel $0x88, $3  }
0x1: {  	(tag) =	ssettag $0x0;
	lr =	simm.s32 $0x1  }
0x2: {  	[smem:$0x3F9F] =	sst lr;
	_ =	strace $0xD0000000  }
0x3: {  	_ = 	snop  }
0x4: {  	_ = 	snop  }
0x5: {  	_ = 	snop  }
0x6: {  	_ = 	snop  }
0x7: {  	_ = 	snop  }
__scs_overlays_trampoline_lowered:
0x8: {  	[smem:$0x3FAE] =	sst s0  }
0x9: {  	[smem:$0x3FAF] =	sst s1  }
0xa: {  	[smem:$0x3FB0] =	sst s2  }
0xb: {  	[smem:$0x3FB1] =	sst s3  }
0xc: {  	[smem:$0x3FB2] =	sst s4  }
0xd: {  	[smem:$0x3FB3] =	sst s5  }
0xe: {  	[smem:$0x3FB4] =	sst s6  }
0xf: {  	[smem:$0x3FB5] =	sst s7  }
0x10: {  	[smem:$0x3FB6] =	sst s8  }
0x11: {  	[smem:$0x3FB7] =	sst s9;
	s0 =	simm.s32 @!p0 $0x0  }
0x12: {  	s1 =	sld [smem:$0x3F9D];
	s0 =	simm.s32 @p0 $0x1  }
0x13: {  	[smem:$0x3FB8] =	sst s0;
	s0 =	simm.s32 @!p1 $0x0  }
0x14: {  	s2 =	sld [smem:$0x3F9C];
	s0 =	simm.s32 @p1 $0x1  }
0x15: {  	[smem:$0x3FB9] =	sst s0;
	s0 =	simm.s32 @!p2 $0x0  }
0x16: {  	s3 =	sld [smem:$0x3FDB];
	s0 =	simm.s32 @p2 $0x1  }
0x17: {  	s4 =	simm.s32 $0x1BF5;
	[smem:$0x3FBB] =	sst s0  }
0x18: {  	s0 =	sld [smem:$0x3F9E];
	_ =	swait.ge [sflag:s4], $0x0  }
0x19: {  	s7 =	sld [smem:$0x3F9F]  }
0x1a: {  	s8 =	sadd.s32 $0xFFFFE003, lr  }
0x1b: {  	s9 =	sadd.s32 $0xFFFFFEF7, lr;
	s5 =	simm.s32 $0xFFFFFFFF;
	p2 =	slt.u32 s8, $0xFFFFF086  }
0x1c: {  	p1 =	slt.u32 s9, $0xF7A;
	s5 =	simm.s32 @!p2 $0x0  }
0x1d: {  	s5 =	simm.s32 @p1 $0x1;
	p0 =	seq.s32 s7, s2  }
0x1e: {  	s7 =	smul.u32 @!p0 $0xF7A, s2;
	p2 =	seq.s32 @!p0 s5, $0x0  }
0x1f: {  	s9 =	smul.u32 $0xF7A, s1;
	s8 =	simm.s32 @!p0 $0x1BF5;
	p2 =	por !p2, p0  }
0x20: {  	[sflag:s8] =	ssyncset.s32 @!p0 $0xFFFFF086;
	s6 =	sadd.s32 @!p0 s3, s7;
	s7 =	simm.s32 @!p0 $0x108  }
0x21: {  	s3 =	sadd.s32 s3, s9;
	s6 =	sadd.s32 @!p0 $0x88, s6;
	s7 =	simm.s32 @p2 $0x1082  }
0x22: {  	[simem:s7], [sflag:s8] =	dma.local @!p0 [hbm:s6], $0xF7A  }
0x23: {  	s9 =	sor.u32 $0xD0000000, s2;
	s6 =	simm.s32 $0x108;
	_ =	swait.ge @!p0 [sflag:s8], $0x0  }
0x24: {  	s3 =	sadd.s32 $0x88, s3;
	s6 =	simm.s32 @!p1 $0x1082;
	[sflag:s4] =	ssyncset.s32 $0xFFFFF086  }
0x25: {  	[simem:s6], [sflag:s4] =	dma.local [hbm:s3], $0xF7A  }
0x26: {  	[smem:$0x3F9F] =	sst s1;
	(tag) =	ssettag s2;
	_ =	strace s9  }
0x27: {  	s1 =	sld [smem:$0x3FAF]  }
0x28: {  	s2 =	sld [smem:$0x3FB0]  }
0x29: {  	s4 =	sld [smem:$0x3FB2]  }
0x2a: {  	p0 =	seq.s32 s5, $0x0;
	s5 =	sld [smem:$0x3FB3]  }
0x2b: {  	s6 =	sld [smem:$0x3FB4]  }
0x2c: {  	s7 =	sld [smem:$0x3FB5]  }
0x2d: {  	s3 =	simm.s32 $0x108;
	s8 =	sld [smem:$0x3FB6]  }
0x2e: {  	s3 =	simm.s32 @!p0 $0x1082;
	s9 =	sld [smem:$0x3FB7]  }
0x2f: {  	lr =	sadd.s32 s0, s3;
	s0 =	sld [smem:$0x3FAE]  }
0x30: {  	s3 =	sld [smem:$0x3FB1]  }
0x31: {  	[smem:$0x3FBA] =	sst s10  }
0x32: {  	s10 =	sld [smem:$0x3FB8];
	_ =	sdelay $0x3  }
0x33: {  	p0 =	seq.s32 s10, $0x1;
	s10 =	sld [smem:$0x3FBA];
	_ =	sdelay $0x3  }
0x34: {  	[smem:$0x3FBA] =	sst s10  }
0x35: {  	s10 =	sld [smem:$0x3FB9];
	_ =	sdelay $0x3  }
0x36: {  	p1 =	seq.s32 s10, $0x1;
	s10 =	sld [smem:$0x3FBA];
	_ =	sdelay $0x3  }
0x37: {  	[smem:$0x3FBA] =	sst s10  }
0x38: {  	s10 =	sld [smem:$0x3FBB]  }
0x39: {  	_ = 	snop;
	(pc) =	sbr.ind lr, $3  }
0x3a: {  	_ = 	snop  }
0x3b: {  	_ = 	snop  }
0x3c: {  	p2 =	seq.s32 s10, $0x1;
	s10 =	sld [smem:$0x3FBA]  }
0x3d: {  	_ =	shalt  }
0x3e: {  	_ =	shalt  }
0x3f: {  	_ =	shalt  }
0x40: {  	_ =	shalt  }
0x41: {  	_ =	shalt  }
0x42: {  	_ =	shalt  }
0x43: {  	_ =	shalt  }
0x44: {  	_ =	shalt  }
0x45: {  	_ =	shalt  }
0x46: {  	_ =	shalt  }
0x47: {  	_ =	shalt  }
0x48: {  	_ =	shalt  }
0x49: {  	_ =	shalt  }
0x4a: {  	_ =	shalt  }
0x4b: {  	_ =	shalt  }
0x4c: {  	_ =	shalt  }
0x4d: {  	_ =	shalt  }
0x4e: {  	_ =	shalt  }
0x4f: {  	_ =	shalt  }
0x50: {  	_ =	shalt  }
0x51: {  	_ =	shalt  }
0x52: {  	_ =	shalt  }
0x53: {  	_ =	shalt  }
0x54: {  	_ =	shalt  }
0x55: {  	_ =	shalt  }
0x56: {  	_ =	shalt  }
0x57: {  	_ =	shalt  }
0x58: {  	_ =	shalt  }
0x59: {  	_ =	shalt  }
0x5a: {  	_ =	shalt  }
0x5b: {  	_ =	shalt  }
0x5c: {  	_ =	shalt  }
0x5d: {  	_ =	shalt  }
0x5e: {  	_ =	shalt  }
0x5f: {  	_ =	shalt  }
0x60: {  	_ =	shalt  }
0x61: {  	_ =	shalt  }
0x62: {  	_ =	shalt  }
0x63: {  	_ =	shalt  }
0x64: {  	_ =	shalt  }
0x65: {  	_ =	shalt  }
0x66: {  	_ =	shalt  }
0x67: {  	_ =	shalt  }
0x68: {  	_ =	shalt  }
0x69: {  	_ =	shalt  }
0x6a: {  	_ =	shalt  }
0x6b: {  	_ =	shalt  }
0x6c: {  	_ =	shalt  }
0x6d: {  	_ =	shalt  }
0x6e: {  	_ =	shalt  }
0x6f: {  	_ =	shalt  }
0x70: {  	_ =	shalt  }
0x71: {  	_ =	shalt  }
0x72: {  	_ =	shalt  }
0x73: {  	_ =	shalt  }
0x74: {  	_ =	shalt  }
0x75: {  	_ =	shalt  }
0x76: {  	_ =	shalt  }
0x77: {  	_ =	shalt  }
0x78: {  	_ =	shalt  }
0x79: {  	_ =	shalt  }
0x7a: {  	_ =	shalt  }
0x7b: {  	_ =	shalt  }
0x7c: {  	_ =	shalt  }
0x7d: {  	_ =	shalt  }
0x7e: {  	_ =	shalt  }
0x7f: {  	_ =	shalt  }
0x80: {  	_ =	shalt  }
0x81: {  	_ =	shalt  }
0x82: {  	_ =	shalt  }
0x83: {  	_ =	shalt  }
0x84: {  	_ =	shalt  }
0x85: {  	_ =	shalt  }
0x86: {  	_ =	shalt  }
0x87: {  	_ =	shalt  }
.Lfunc_end0:
.L_simem_size_0:
called_computation_lowered:
.L_overlay_start_0:
0x88: {  	s2 =	sld [smem:$0x3FD9]  }
0x89: {  	s3 =	sld [smem:$0x3FFE];
	_ =	sdelay $0x1  }
0x8a: {  	s1 =	srdreg.scid  }
0x8b: {  	s0 =	sand.u32 $0x1, s1  }
0x8c: {  	s17 =	sshll.u32 s0, $0xA;
	s2 =	sadd.s32 s3, s2  }
0x8d: {  	s2 =	sadd.s32 s2, s17  }
0x8e: {  	[smem:$0x3FC6] =	sst s2  }
0x8f: {  	_ = 	snop  }
0x90: {  	s2 =	sld [smem:$0x3FC8]  }
0x91: {  	s18 =	sld [smem:$0x3FD0];
	(tm) =	ssettm $0x1  }
0x92: {  	s4 =	sld [smem:$0x3FFB];
	_ =	sdelay $0x3  }
0x93: {  	_ =	strace s4  }
0x94: {  	s4 =	sld [smem:$0x3FFC];
	_ =	sdelay $0x3  }
0x95: {  	_ =	strace s4  }
0x96: {  	s4 =	sld [smem:$0x3FFD];
	_ =	sdelay $0x3  }
0x97: {  	_ =	strace s4  }
0x98: {  	_ =	strace $0x8FFFFFFF  }
0x99: {  	s19 =	sld [smem:$0x3FDB];
	_ =	sdelay $0x1  }
0x9a: {  	s5 =	simm.s32 $_scs_section_size  }
0x9b: {  	s6 =	simm.s32 $_size__tile_overlayer_lowered;
	s7 =	simm.s32 $_tile_overlayer_lowered  }
0x9c: {  	s22 =	simm.s32 $0x1BFF;
	s21 =	sshll.u32 s7, $0x1;
	s4 =	sadd.s32 s5, s19  }
0x9d: {  	s8 =	simm.s32 $0x0;
	s20 =	sshll.u32 s6, $0x1;
	s6 =	sadd.s32 s21, s4  }
0x9e: {  	[timem:s8], [sflag:s22] =	dma.local [hbm:s6], s20  }
0x9f: {  	_ =	swait.ge [sflag:s22], s20  }
0xa0: {  	s5 =	ssub.s32 $0x0, s20;
	[sflag:s22] =	ssyncset.done $0x0  }
0xa1: {  	[sflag:s22] =	ssyncadd.s32 s5;
	_ =	sdelay $0x1  }
0xa2: {  	s23 =	simm.s32 $0x1B8B  }
0xa3: {  	_ =	swait.ge [sflag:s23], $0x1  }
0xa4: {  	[sflag:s23] =	ssyncset.done $0x0  }
0xa5: {  	s25 =	simm.s32 $0x1B8E;
	s24 =	sld [smem:$0x3FFE];
	[sflag:s23] =	ssyncadd.s32 $0xFFFFFFFF  }
0xa6: {  	s26 =	simm.s32 $execute0_lowered;
	[smem:$0x3FD2] =	sst s25  }
0xa7: {  	s6 =	sshll.u32 s26, $0x1;
	_ =	strace $0x80000046;
	[dreg:$0x1] =	wrdreg $0xFFFFFFFF  }
0xa8: {  	s28 =	simm.s32 $_size_execute0_lowered;
	s4 =	sadd.s32 s4, s6;
	[dreg:$0x0] =	wrdreg $0x0  }
0xa9: {  	s6 =	sshll.u32 s28, $0x1;
	[dreg:$0x2] =	wrdreg s4  }
0xaa: {  	[dreg:$0x3] =	wrdreg s6  }
0xab: {  	[dreg:$0x4] =	wrdreg $0xC0  }
0xac: {  	_ =	task [dreg:s8], $0x5FFFF  }
0xad: {  	[dreg:$0x1] =	wrdreg $0xFFFFFFFF  }
0xae: {  	[dreg:$0x0] =	wrdreg $0x60  }
0xaf: {  	[dreg:$0x2] =	wrdreg s2  }
0xb0: {  	[dreg:$0x3] =	wrdreg s24  }
0xb1: {  	[dreg:$0x4] =	wrdreg s18  }
0xb2: {  	[dreg:$0x5] =	wrdreg $0x164000  }
0xb3: {  	[dreg:$0x6] =	wrdreg $0x9  }
0xb4: {  	_ =	task.clear_ibuf [dreg:s8], $0x7FFFF;
	_ =	strace $0x90000046  }
0xb5: {  	s29 =	simm.s32 $0x9;
	_ =	strace $0x80000048  }
0xb6: {  	_ =	swait.ge [sflag:s29], $0x1  }
0xb7: {  	[sflag:s29] =	ssyncadd.s32 $0xFFFFFFFF  }
0xb8: {  	_ =	strace $0x90000048  }
0xb9: {  	_ =	sfence  }
0xba: {  	s30 =	sld [smem:$0x0];
	_ =	sdelay $0x2  }
0xbb: {  	s31 =	sshll.u32 s1, $0xD;
	s1 =	sshrl.u32 s1, $0x2  }
0xbc: {  	s3 =	sand.u32 $0x4000, s31;
	s1 =	sadd.s32 s1, s30  }
0xbd: {  	s0 =	sor.u32 s3, s0;
	s1 =	sshll.u32 s1, $0x11  }
0xbe: {  	s0 =	sor.u32 s1, s0  }
0xbf: {  	s0 =	sadd.s32 $0x8F2B, s0  }
0xc0: {  	[sflag:s0] =	ssyncadd.remote.s32 $0x1  }
0xc1: {  	_ =	sfence.sel $0xFFFF  }
0xc2: {  	[dreg:$0x0] =	wrdreg $0xFFFFFFFF;
	(pc) =	sbr.abs _section_cstart, $3  }
0xc3: {  	[dreg:$0x1] =	wrdreg $0xFFFFFFFF  }
0xc4: {  	_ =	task.clear_ibuf [dreg:s8], $0x2FFFF;
	_ =	strace $0x9FFFFFFF  }
0xc5: {  	(tm) =	ssettm $0x7FFFFFFF  }
tec
execute0_lowered:
.L_overlay_start_1:
0x0: {  	(tag) =	ssettag $0x1  }
0x1: {  	s1 =	rddreg [dreg:$0x0]  }
0x2: {  	s0 =	rddreg [dreg:$0x1]  }
0x3: {  	s2 =	rddreg [dreg:$0x2];
	s3 =	srdreg.scid  }
0x4: {  	s12 =	stileid.u32;
	s4 =	rddreg [dreg:$0x3];
	s6 =	simm.s32 $0x0  }
0x5: {  	s28 =	simm.s32 $0x3;
	s29 =	simm.s32 $0x7;
	s11 =	smul.u32 $0x640000, s12  }
0x6: {  	s3 =	sand.u32 $0x1, s3;
	s5 =	sshll.u32 s12, $0x1;
	s22 =	smul.u32 $0xC8000, s12  }
0x7: {  	s30 =	simm.s32 $0x6;
	s5 =	sor.u32 s3, s5;
	s18 =	smul.u32 $0x320000, s3  }
0x8: {  	[smem:$0x7FF] =	sst s6;
	s17 =	sshll.u32 s12, $0xF;
	s16 =	smul.u32 $0x6400, s5  }
0x9: {  	_ =	strace $0x80000047;
	s7 =	ssub.s32 $0x2, s3;
	s3 =	smul.u32 $0x64000, s3  }
0xa: {  	s8 =	sshrl.u32 s7, $0x1;
	s9 =	smul.u32 $0x64000, s5;
	s6 =	sshrl.u32 s16, $0x3  }
0xb: {  	s10 =	smul.u32 $0x320000, s5;
	s5 =	sadd.s32 s17, s4;
	s0 =	sadd.s32 s6, s0  }
0xc: {  	s17 =	simm.s32 $0x80;
	s6 =	sadd.s32 s2, s9;
	s0 =	sadd.s32 $0x400, s0  }
0xd: {  	s20 =	sshrl.u32 s10, $0x3;
	s19 =	sadd.s32 $0x800, s6;
	[dreg:$0x7] =	wrdreg s0  }
0xe: {  	s4 =	sadd.s32 s2, s20;
	s9 =	sadd.s32 $0x1000, s6;
	[dreg:$0x8] =	wrdreg s19  }
0xf: {  	s8 =	ssub.s32 s7, s8;
	s21 =	sadd.s32 $0x61800, s4;
	[dreg:$0x9] =	wrdreg s9  }
0x10: {  	s7 =	sadd.s32 $0x4000, s5;
	s23 =	sadd.s32 $0x62000, s4;
	[dreg:$0xa] =	wrdreg s21  }
0x11: {  	s15 =	smax.u32 s8, $0x1;
	s24 =	sadd.s32 $0x62800, s4;
	[dreg:$0xb] =	wrdreg s23  }
0x12: {  	s16 =	simm.s32 $0x9;
	s25 =	sadd.s32 $0x63000, s4;
	[dreg:$0xc] =	wrdreg s24  }
0x13: {  	s20 =	simm.s32 $0x1;
	s31 =	sadd.s32 $0x63800, s4;
	[dreg:$0xd] =	wrdreg s25  }
0x14: {  	s0 =	sadd.s32 s18, s11;
	[dreg:$0xe] =	wrdreg s31;
	s18 =	simm.s32 $0x6400  }
0x15: {  	s19 =	simm.s32 $0xA400;
	s23 =	simm.s32 $0x2;
	s0 =	sor.u32 $0x10000, s0  }
0x16: {  	s24 =	simm.s32 $0x5;
	s21 =	simm.s32 $0x0;
	s0 =	sshrl.u32 s0, $0x3  }
0x17: {  	s0 =	sadd.s32 s0, s2;
	s2 =	sadd.s32 s22, s2;
	s22 =	simm.s32 $0xE400  }
0x18: {  	[dreg:$0x5] =	wrdreg s0;
	s26 =	sadd.s32 s3, s2;
	s2 =	simm.s32 $0x4  }
0x19: {  	s0 =	simm.s32 $0x8;
	[dreg:$0x6] =	wrdreg s26;
	s26 =	simm.s32 $0x12400  }
.LBB2_1:
0x1a: {  	s3 =	simm.s32 $0x0;
	s4 =	rddreg [dreg:$0x7]  }
0x1b: {  	[tilespmem:s3], [sflag:$0x9] =	stream.linear.gather [hbm4b:s4+s3], $0x6400, $0x38;
	[tilespmem:$0x1E400] =	vst v63  }
0x1c: {  	_ =	swait.ge [sflag:s16], $0x6400  }
0x1d: {  	[sflag:s16] =	ssyncset.done $0x0  }
0x1e: {  	[sflag:s16] =	ssyncadd.s32 $0xFFFF9C00  }
0x1f: {  	[tilespmem:s18], [sflag:$0x1] =	stream.indirect.gather [hbm4b:s1+s17], $0x80, s3, s17, $0xb8;
	[tilespmem:$0x1E400] =	vst v63  }
0x20: {  	_ = 	snop  }
0x21: {  	[tilespmem:s19], [sflag:$0x2] =	stream.indirect.gather [hbm4b:s1+s17], $0x80, s17, s17, $0xb8;
	[tilespmem:$0x1E400] =	vst v63  }
0x22: {  	_ =	swait.ge [sflag:s20], $0x4000  }
0x23: {  	[sflag:s20] =	ssyncset.done $0x0  }
0x24: {  	[sflag:s20] =	ssyncadd.s32 $0xFFFFC000  }
0x25: {  	[spmem:s5] =	stream.linear.scatter [tilespmem:s18], [sflag:$0x5], $0x4000, $0x38;
	[tilespmem:$0x1E400] =	vst v63  }
0x26: {  	s10 =	simm.s32 $0x100  }
0x27: {  	[tilespmem:s22], [sflag:$0x3] =	stream.indirect.gather [hbm4b:s1+s17], $0x80, s10, s17, $0xb8;
	[tilespmem:$0x1E400] =	vst v63  }
0x28: {  	_ =	swait.ge [sflag:s23], $0x4000  }
0x29: {  	[sflag:s23] =	ssyncset.done $0x0  }
0x2a: {  	[sflag:s23] =	ssyncadd.s32 $0xFFFFC000  }
0x2b: {  	[spmem:s7] =	stream.linear.scatter [tilespmem:s19], [sflag:$0x6], $0x4000, $0x38;
	[tilespmem:$0x1E400] =	vst v63  }
0x2c: {  	s11 =	stileid.u32;
	_ =	swait.ge [sflag:s24], $0x4000  }
0x2d: {  	s31 =	sshrl.u32 s5, $0x3;
	s3 =	sshll.u32 s11, $0x6;
	[sflag:s24] =	ssyncset.done $0x0  }
0x2e: {  	s12 =	simm.s32 $0x180;
	s25 =	sor.u32 $0x1C07, s3;
	[sflag:s24] =	ssyncadd.s32 $0xFFFFC000  }
0x2f: {  	[hbm:s6], [sflag:s25] =	dma.local [spmem:s31], $0x800  }
0x30: {  	[tilespmem:s26], [sflag:$0x4] =	stream.indirect.gather [hbm4b:s1+s17], $0x80, s12, s17, $0xb8;
	[tilespmem:$0x1E400] =	vst v63  }
0x31: {  	_ =	swait.ge [sflag:s28], $0x4000  }
0x32: {  	[sflag:s28] =	ssyncset.done $0x0  }
0x33: {  	[sflag:s28] =	ssyncadd.s32 $0xFFFFC000  }
0x34: {  	_ =	swait.ge [sflag:s29], $0x800  }
0x35: {  	[sflag:s29] =	ssyncset.done $0x0  }
0x36: {  	[sflag:s29] =	ssyncadd.s32 $0xFFFFF800  }
0x37: {  	[spmem:s5] =	stream.linear.scatter [tilespmem:s22], [sflag:$0x5], $0x4000, $0x38;
	[tilespmem:$0x1E400] =	vst v63  }
0x38: {  	_ =	swait.ge [sflag:s30], $0x4000  }
0x39: {  	s13 =	simm.s32 $0x200;
	s4 =	sshrl.u32 s7, $0x3;
	[sflag:s30] =	ssyncset.done $0x0  }
0x3a: {  	s3 =	sor.u32 $0x1C08, s3;
	s8 =	rddreg [dreg:$0x8];
	[sflag:s30] =	ssyncadd.s32 $0xFFFFC000  }
0x3b: {  	[hbm:s8], [sflag:s3] =	dma.local [spmem:s4], $0x800  }
0x3c: {  	[tilespmem:s18], [sflag:$0x1] =	stream.indirect.gather [hbm4b:s1+s17], $0x80, s13, s17, $0xb8;
	[tilespmem:$0x1E400] =	vst v63  }
0x3d: {  	_ =	swait.ge [sflag:s2], $0x4000  }
0x3e: {  	[sflag:s2] =	ssyncset.done $0x0  }
0x3f: {  	[sflag:s2] =	ssyncadd.s32 $0xFFFFC000  }
0x40: {  	_ =	swait.ge [sflag:s0], $0x800  }
0x41: {  	[sflag:s0] =	ssyncset.done $0x0  }
0x42: {  	[sflag:s0] =	ssyncadd.s32 $0xFFFFF800  }
0x43: {  	[spmem:s7] =	stream.linear.scatter [tilespmem:s26], [sflag:$0x6], $0x4000, $0x38;
	[tilespmem:$0x1E400] =	vst v63  }
0x44: {  	_ =	swait.ge [sflag:s24], $0x4000  }
0x45: {  	[sflag:s24] =	ssyncset.done $0x0  }
0x46: {  	s9 =	simm.s32 $0x280;
	s14 =	rddreg [dreg:$0x9];
	[sflag:s24] =	ssyncadd.s32 $0xFFFFC000  }
0x47: {  	[hbm:s14], [sflag:s25] =	dma.local [spmem:s31], $0x800  }
0x48: {  	[tilespmem:s19], [sflag:$0x2] =	stream.indirect.gather [hbm4b:s1+s17], $0x80, s9, s17, $0xb8;
	[tilespmem:$0x1E400] =	vst v63  }
0x49: {  	_ =	swait.ge [sflag:s20], $0x4000  }
0x4a: {  	[sflag:s20] =	ssyncset.done $0x0  }
0x4b: {  	[sflag:s20] =	ssyncadd.s32 $0xFFFFC000  }
0x4c: {  	_ =	swait.ge [sflag:s29], $0x800  }
0x4d: {  	[sflag:s29] =	ssyncset.done $0x0  }
0x4e: {  	[sflag:s29] =	ssyncadd.s32 $0xFFFFF800  }
0x4f: {  	[spmem:s5] =	stream.linear.scatter [tilespmem:s18], [sflag:$0x5], $0x4000, $0x38;
	[tilespmem:$0x1E400] =	vst v63  }
0x50: {  	_ =	swait.ge [sflag:s30], $0x4000  }
0x51: {  	s10 =	rddreg [dreg:$0x6]  }
0x52: {  	[sflag:s30] =	ssyncset.done $0x0;
	s8 =	sadd.s32 $0x0, s10  }
0x53: {  	[sflag:s30] =	ssyncadd.s32 $0xFFFFC000;
	s10 =	simm.s32 $0x300;
	s9 =	sadd.s32 $0x1800, s8  }
0x54: {  	[hbm:s9], [sflag:s3] =	dma.local [spmem:s4], $0x800  }
0x55: {  	[tilespmem:s22], [sflag:$0x3] =	stream.indirect.gather [hbm4b:s1+s17], $0x80, s10, s17, $0xb8;
	[tilespmem:$0x1E400] =	vst v63  }
0x56: {  	_ =	swait.ge [sflag:s23], $0x4000  }
0x57: {  	[sflag:s23] =	ssyncset.done $0x0  }
0x58: {  	[sflag:s23] =	ssyncadd.s32 $0xFFFFC000  }
0x59: {  	_ =	swait.ge [sflag:s0], $0x800  }
0x5a: {  	[sflag:s0] =	ssyncset.done $0x0  }
0x5b: {  	[sflag:s0] =	ssyncadd.s32 $0xFFFFF800  }
0x5c: {  	[spmem:s7] =	stream.linear.scatter [tilespmem:s19], [sflag:$0x6], $0x4000, $0x38;
	[tilespmem:$0x1E400] =	vst v63  }
0x5d: {  	_ =	swait.ge [sflag:s24], $0x4000  }
0x5e: {  	s11 =	rddreg [dreg:$0x5];
	[sflag:s24] =	ssyncset.done $0x0  }
0x5f: {  	s12 =	simm.s32 $0x380;
	[sflag:s24] =	ssyncadd.s32 $0xFFFFC000;
	s9 =	sadd.s32 $0x0, s11  }
0x60: {  	[hbm:s9], [sflag:s25] =	dma.local [spmem:s31], $0x800  }
0x61: {  	[tilespmem:s26], [sflag:$0x4] =	stream.indirect.gather [hbm4b:s1+s17], $0x80, s12, s17, $0xb8;
	[tilespmem:$0x1E400] =	vst v63  }
0x62: {  	_ =	swait.ge [sflag:s28], $0x4000  }
0x63: {  	[sflag:s28] =	ssyncset.done $0x0  }
0x64: {  	[sflag:s28] =	ssyncadd.s32 $0xFFFFC000  }
0x65: {  	_ =	swait.ge [sflag:s29], $0x800  }
0x66: {  	[sflag:s29] =	ssyncset.done $0x0  }
0x67: {  	[sflag:s29] =	ssyncadd.s32 $0xFFFFF800  }
0x68: {  	[spmem:s5] =	stream.linear.scatter [tilespmem:s22], [sflag:$0x5], $0x4000, $0x38;
	[tilespmem:$0x1E400] =	vst v63  }
0x69: {  	_ =	swait.ge [sflag:s30], $0x4000  }
0x6a: {  	[sflag:s30] =	ssyncset.done $0x0  }
0x6b: {  	s14 =	simm.s32 $0x400;
	s13 =	sadd.s32 $0x2800, s8;
	[sflag:s30] =	ssyncadd.s32 $0xFFFFC000  }
0x6c: {  	[hbm:s13], [sflag:s3] =	dma.local [spmem:s4], $0x800  }
0x6d: {  	[tilespmem:s18], [sflag:$0x1] =	stream.indirect.gather [hbm4b:s1+s17], $0x80, s14, s17, $0xb8;
	[tilespmem:$0x1E400] =	vst v63  }
0x6e: {  	_ =	swait.ge [sflag:s2], $0x4000  }
0x6f: {  	[sflag:s2] =	ssyncset.done $0x0  }
0x70: {  	[sflag:s2] =	ssyncadd.s32 $0xFFFFC000  }
0x71: {  	_ =	swait.ge [sflag:s0], $0x800  }
0x72: {  	[sflag:s0] =	ssyncset.done $0x0  }
0x73: {  	[sflag:s0] =	ssyncadd.s32 $0xFFFFF800  }
0x74: {  	[spmem:s7] =	stream.linear.scatter [tilespmem:s26], [sflag:$0x6], $0x4000, $0x38;
	[tilespmem:$0x1E400] =	vst v63  }
0x75: {  	_ =	swait.ge [sflag:s24], $0x4000  }
0x76: {  	[sflag:s24] =	ssyncset.done $0x0  }
0x77: {  	s8 =	sadd.s32 $0x3000, s8;
	[sflag:s24] =	ssyncadd.s32 $0xFFFFC000  }
0x78: {  	[hbm:s8], [sflag:s25] =	dma.local [spmem:s31], $0x800  }
0x79: {  	s10 =	simm.s32 $0x480;
	s9 =	simm.s32 $0x680;
	s8 =	simm.s32 $0x2000  }
.LBB2_2:
0x7a: {  	[tilespmem:s19], [sflag:$0x2] =	stream.indirect.gather [hbm4b:s1+s17], $0x80, s10, s17, $0xb8;
	[tilespmem:$0x1E400] =	vst v63  }
0x7b: {  	_ =	swait.ge [sflag:s20], $0x4000  }
0x7c: {  	[sflag:s20] =	ssyncset.done $0x0  }
0x7d: {  	[sflag:s20] =	ssyncadd.s32 $0xFFFFC000  }
0x7e: {  	_ =	swait.ge [sflag:s29], $0x800  }
0x7f: {  	[sflag:s29] =	ssyncset.done $0x0  }
0x80: {  	[sflag:s29] =	ssyncadd.s32 $0xFFFFF800  }
0x81: {  	[spmem:s5] =	stream.linear.scatter [tilespmem:s18], [sflag:$0x5], $0x4000, $0x38;
	[tilespmem:$0x1E400] =	vst v63  }
0x82: {  	_ =	swait.ge [sflag:s30], $0x4000  }
0x83: {  	s12 =	smov.u32 s8;
	s11 =	rddreg [dreg:$0x6]  }
0x84: {  	[sflag:s30] =	ssyncset.done $0x0;
	s11 =	sadd.s32 s12, s11  }
0x85: {  	s14 =	sadd.s32 $0xFFFFFE80, s9;
	[sflag:s30] =	ssyncadd.s32 $0xFFFFC000;
	s13 =	sadd.s32 $0x1800, s11  }
0x86: {  	[hbm:s13], [sflag:s3] =	dma.local [spmem:s4], $0x800  }
0x87: {  	[tilespmem:s22], [sflag:$0x3] =	stream.indirect.gather [hbm4b:s1+s17], $0x80, s14, s17, $0xb8;
	[tilespmem:$0x1E400] =	vst v63  }
0x88: {  	_ =	swait.ge [sflag:s23], $0x4000  }
0x89: {  	[sflag:s23] =	ssyncset.done $0x0  }
0x8a: {  	[sflag:s23] =	ssyncadd.s32 $0xFFFFC000  }
0x8b: {  	_ =	swait.ge [sflag:s0], $0x800  }
0x8c: {  	[sflag:s0] =	ssyncset.done $0x0  }
0x8d: {  	[sflag:s0] =	ssyncadd.s32 $0xFFFFF800  }
0x8e: {  	[spmem:s7] =	stream.linear.scatter [tilespmem:s19], [sflag:$0x6], $0x4000, $0x38;
	[tilespmem:$0x1E400] =	vst v63  }
0x8f: {  	_ =	swait.ge [sflag:s24], $0x4000  }
0x90: {  	[sflag:s24] =	ssyncset.done $0x0;
	s14 =	rddreg [dreg:$0x5]  }
0x91: {  	[sflag:s24] =	ssyncadd.s32 $0xFFFFC000;
	s12 =	sadd.s32 s12, s14;
	s14 =	sadd.s32 $0xFFFFFF00, s9  }
0x92: {  	[hbm:s12], [sflag:s25] =	dma.local [spmem:s31], $0x800  }
0x93: {  	[tilespmem:s26], [sflag:$0x4] =	stream.indirect.gather [hbm4b:s1+s17], $0x80, s14, s17, $0xb8;
	[tilespmem:$0x1E400] =	vst v63  }
0x94: {  	_ =	swait.ge [sflag:s28], $0x4000  }
0x95: {  	[sflag:s28] =	ssyncset.done $0x0  }
0x96: {  	[sflag:s28] =	ssyncadd.s32 $0xFFFFC000  }
0x97: {  	_ =	swait.ge [sflag:s29], $0x800  }
0x98: {  	[sflag:s29] =	ssyncset.done $0x0  }
0x99: {  	[sflag:s29] =	ssyncadd.s32 $0xFFFFF800  }
0x9a: {  	[spmem:s5] =	stream.linear.scatter [tilespmem:s22], [sflag:$0x5], $0x4000, $0x38;
	[tilespmem:$0x1E400] =	vst v63  }
0x9b: {  	_ =	swait.ge [sflag:s30], $0x4000  }
0x9c: {  	[sflag:s30] =	ssyncset.done $0x0  }
0x9d: {  	s13 =	sadd.s32 $0x2800, s11;
	s14 =	sadd.s32 $0xFFFFFF80, s9;
	[sflag:s30] =	ssyncadd.s32 $0xFFFFC000  }
0x9e: {  	[hbm:s13], [sflag:s3] =	dma.local [spmem:s4], $0x800  }
0x9f: {  	[tilespmem:s18], [sflag:$0x1] =	stream.indirect.gather [hbm4b:s1+s17], $0x80, s14, s17, $0xb8;
	[tilespmem:$0x1E400] =	vst v63  }
0xa0: {  	_ =	swait.ge [sflag:s2], $0x4000  }
0xa1: {  	[sflag:s2] =	ssyncset.done $0x0  }
0xa2: {  	[sflag:s2] =	ssyncadd.s32 $0xFFFFC000  }
0xa3: {  	_ =	swait.ge [sflag:s0], $0x800  }
0xa4: {  	[sflag:s0] =	ssyncset.done $0x0  }
0xa5: {  	p0 =	sne.s32 s8, $0x5E000;
	[sflag:s0] =	ssyncadd.s32 $0xFFFFF800  }
0xa6: {  	[spmem:s7] =	stream.linear.scatter [tilespmem:s26], [sflag:$0x6], $0x4000, $0x38;
	[tilespmem:$0x1E400] =	vst v63  }
.Ltmp0:
0xa7: {  	_ = 	snop;
	(pc) =	sbr.rel @p0 .LBB2_2-.Ltmp0, $4  }
0xa8: {  	_ =	swait.ge [sflag:s24], $0x4000  }
0xa9: {  	s8 =	sadd.s32 $0x2000, s8;
	s10 =	smov.u32 s9;
	[sflag:s24] =	ssyncset.done $0x0  }
0xaa: {  	s11 =	sadd.s32 $0x3000, s11;
	s9 =	sadd.s32 $0x200, s9;
	[sflag:s24] =	ssyncadd.s32 $0xFFFFC000  }
0xab: {  	[hbm:s11], [sflag:s25] =	dma.local [spmem:s31], $0x800  }
0xac: {  	[tilespmem:s19], [sflag:$0x2] =	stream.indirect.gather [hbm4b:s1+s17], $0x80, s10, s17, $0xb8;
	[tilespmem:$0x1E400] =	vst v63  }
0xad: {  	_ =	swait.ge [sflag:s20], $0x4000  }
0xae: {  	[sflag:s20] =	ssyncset.done $0x0  }
0xaf: {  	[sflag:s20] =	ssyncadd.s32 $0xFFFFC000  }
0xb0: {  	_ =	swait.ge [sflag:s29], $0x800  }
0xb1: {  	[sflag:s29] =	ssyncset.done $0x0  }
0xb2: {  	[sflag:s29] =	ssyncadd.s32 $0xFFFFF800  }
0xb3: {  	[spmem:s5] =	stream.linear.scatter [tilespmem:s18], [sflag:$0x5], $0x4000, $0x38;
	[tilespmem:$0x1E400] =	vst v63  }
0xb4: {  	_ =	swait.ge [sflag:s30], $0x4000  }
0xb5: {  	[sflag:s30] =	ssyncset.done $0x0  }
0xb6: {  	s10 =	simm.s32 $0x6300;
	s8 =	rddreg [dreg:$0xa];
	[sflag:s30] =	ssyncadd.s32 $0xFFFFC000  }
0xb7: {  	[hbm:s8], [sflag:s3] =	dma.local [spmem:s4], $0x800  }
0xb8: {  	[tilespmem:s22], [sflag:$0x3] =	stream.indirect.gather [hbm4b:s1+s17], $0x80, s10, s17, $0xb8;
	[tilespmem:$0x1E400] =	vst v63  }
0xb9: {  	_ =	swait.ge [sflag:s23], $0x4000  }
0xba: {  	[sflag:s23] =	ssyncset.done $0x0  }
0xbb: {  	[sflag:s23] =	ssyncadd.s32 $0xFFFFC000  }
0xbc: {  	_ =	swait.ge [sflag:s0], $0x800  }
0xbd: {  	[sflag:s0] =	ssyncset.done $0x0  }
0xbe: {  	[sflag:s0] =	ssyncadd.s32 $0xFFFFF800  }
0xbf: {  	[spmem:s7] =	stream.linear.scatter [tilespmem:s19], [sflag:$0x6], $0x4000, $0x38;
	[tilespmem:$0x1E400] =	vst v63  }
0xc0: {  	_ =	swait.ge [sflag:s24], $0x4000  }
0xc1: {  	[sflag:s24] =	ssyncset.done $0x0  }
0xc2: {  	s12 =	simm.s32 $0x6380;
	s11 =	rddreg [dreg:$0xb];
	[sflag:s24] =	ssyncadd.s32 $0xFFFFC000  }
0xc3: {  	[hbm:s11], [sflag:s25] =	dma.local [spmem:s31], $0x800  }
0xc4: {  	[tilespmem:s26], [sflag:$0x4] =	stream.indirect.gather [hbm4b:s1+s17], $0x80, s12, s17, $0xb8;
	[tilespmem:$0x1E400] =	vst v63  }
0xc5: {  	_ =	swait.ge [sflag:s28], $0x4000  }
0xc6: {  	[sflag:s28] =	ssyncset.done $0x0  }
0xc7: {  	[sflag:s28] =	ssyncadd.s32 $0xFFFFC000  }
0xc8: {  	_ =	swait.ge [sflag:s29], $0x800  }
0xc9: {  	[sflag:s29] =	ssyncset.done $0x0  }
0xca: {  	[sflag:s29] =	ssyncadd.s32 $0xFFFFF800  }
0xcb: {  	[spmem:s5] =	stream.linear.scatter [tilespmem:s22], [sflag:$0x5], $0x4000, $0x38;
	[tilespmem:$0x1E400] =	vst v63  }
0xcc: {  	_ =	swait.ge [sflag:s30], $0x4000  }
0xcd: {  	[sflag:s30] =	ssyncset.done $0x0  }
0xce: {  	s13 =	rddreg [dreg:$0xc];
	[sflag:s30] =	ssyncadd.s32 $0xFFFFC000  }
0xcf: {  	[hbm:s13], [sflag:s3] =	dma.local [spmem:s4], $0x800  }
0xd0: {  	_ =	swait.ge [sflag:s2], $0x4000  }
0xd1: {  	[sflag:s2] =	ssyncset.done $0x0  }
0xd2: {  	[sflag:s2] =	ssyncadd.s32 $0xFFFFC000  }
0xd3: {  	_ =	swait.ge [sflag:s0], $0x800  }
0xd4: {  	[sflag:s0] =	ssyncset.done $0x0  }
0xd5: {  	[sflag:s0] =	ssyncadd.s32 $0xFFFFF800  }
0xd6: {  	[spmem:s7] =	stream.linear.scatter [tilespmem:s26], [sflag:$0x6], $0x4000, $0x38;
	[tilespmem:$0x1E400] =	vst v63  }
0xd7: {  	_ =	swait.ge [sflag:s24], $0x4000  }
0xd8: {  	[sflag:s24] =	ssyncset.done $0x0  }
0xd9: {  	s14 =	rddreg [dreg:$0xd];
	[sflag:s24] =	ssyncadd.s32 $0xFFFFC000  }
0xda: {  	[hbm:s14], [sflag:s25] =	dma.local [spmem:s31], $0x800  }
0xdb: {  	_ =	swait.ge [sflag:s30], $0x4000  }
0xdc: {  	[sflag:s30] =	ssyncset.done $0x0  }
0xdd: {  	s21 =	sadd.s32 $0x1, s21;
	s31 =	rddreg [dreg:$0xe];
	[sflag:s30] =	ssyncadd.s32 $0xFFFFC000  }
0xde: {  	[hbm:s31], [sflag:s3] =	dma.local [spmem:s4], $0x800  }
0xdf: {  	p0 =	sne.s32 s21, s15;
	_ =	swait.ge [sflag:s29], $0x800  }
.Ltmp1:
0xe0: {  	[sflag:s29] =	ssyncset.done $0x0;
	(pc) =	sbr.rel @p0 .LBB2_1-.Ltmp1, $4  }
0xe1: {  	[sflag:s29] =	ssyncadd.s32 $0xFFFFF800  }
0xe2: {  	_ =	swait.ge [sflag:s0], $0x800  }
0xe3: {  	[sflag:s0] =	ssyncset.done $0x0  }
0xe4: {  	[sflag:s0] =	ssyncadd.s32 $0xFFFFF800  }
0xe5: {  	_ =	sfence.sel $0x180000  }
0xe6: {  	[bflag:$0x0] =	sbarrier.arrive $0xFFFF  }
0xe7: {  	_ =	strace $0x90000047  }
0xe8: {  	s0 =	stileid.u32;
	[bflag:$0x2] =	sbarrier.arrive $0xFFFF  }
0xe9: {  	p0 =	sne.s32 s0, $0x0;
	s0 =	rddreg [dreg:$0x4]  }
0xea: {  	s0 =	sadd.s32 @!p0 $0x100000, s0  }
0xeb: {  	[sflag:s0] =	ssyncadd.tile.s32 @!p0 $0x1;
	_ =	shalt  }
.Lfunc_end2:
_tile_overlayer_lowered:
.L_overlay_start_2:
0xec: {  	(tag) =	ssettag $0x2  }
0xed: {  	s0 =	rddreg [dreg:$0x0];
	s2 =	stileid.u32  }
0xee: {  	s1 =	rddreg [dreg:$0x1];
	p0 =	sne.s32 s2, $0x0  }
0xef: {  	s3 =	rddreg [dreg:$0x2];
	[bflag:$0x3] =	sbarrier.arrive $0xFFFF;
	s2 =	simm.s32 @!p0 $0x1C09  }
0xf0: {  	[timem:s3], [sflag:s2] =	dma.local @!p0 [hbm:s0], s1  }
0xf1: {  	s0 =	simm.s32 @!p0 $0x9  }
0xf2: {  	_ =	swait.ge @!p0 [sflag:s0], s1  }
0xf3: {  	s1 =	ssub.s32 @!p0 $0x0, s1;
	[sflag:s0] =	ssyncset.done @!p0 $0x0  }
0xf4: {  	[sflag:s0] =	ssyncadd.s32 @!p0 s1  }
0xf5: {  	[bflag:$0x3] =	sbarrier.arrive $0xFFFF  }
0xf6: {  	_ =	shalt  }

</sc_bundles>
